<compile_context>
chip_gen: v7x
topology: tpu7x:2x2x1
jax: 0.10.2.dev20260603
libtpu: 0.0.44.dev20260713+nightly
codegen_flags: <defaults>
</compile_context>

<pallas_src>
import functools

import jax
import jax.numpy as jnp
from jax import lax
from jax.experimental import pallas as pl
from jax.experimental.pallas import tpu as pltpu
from jax.experimental.pallas import tpu_sc as plsc

E = 64
K = 2
H = 1024
F = 512
T = 2048

M = 128
G = 96
P = G * M

_TB = 128
_NTB = T // _TB

_NC = 2
_NS = 16
_NW = _NC * _NS
_L = 16



def _router_body(x_ref, gw_ref, w1_ref, w2_ref, i1_ref, i2_ref,
                 r1_ref, r2_ref, cnt_ref, meta_ref, run_scr):
    b = pl.program_id(0)

    @pl.when(b == 0)
    def _():
        run_scr[...] = jnp.zeros_like(run_scr)

    logits = jnp.dot(x_ref[...], gw_ref[...], preferred_element_type=jnp.float32)
    p = jax.nn.softmax(logits, axis=-1)
    lane = lax.broadcasted_iota(jnp.int32, (_TB, E), 1)

    m1 = jnp.max(p, axis=-1, keepdims=True)
    i1 = jnp.min(jnp.where(p >= m1, lane, E), axis=-1, keepdims=True)
    p2 = jnp.where(lane == i1, -1.0, p)
    m2 = jnp.max(p2, axis=-1, keepdims=True)
    i2 = jnp.min(jnp.where(p2 >= m2, lane, E), axis=-1, keepdims=True)
    s = m1 + m2

    oh1 = (lane == i1).astype(jnp.float32)
    oh2 = (lane == i2).astype(jnp.float32)
    oh = oh1 + oh2

    row_i = lax.broadcasted_iota(jnp.int32, (_TB, _TB), 0)
    col_j = lax.broadcasted_iota(jnp.int32, (_TB, _TB), 1)
    tri = (col_j < row_i).astype(jnp.float32)
    cum = run_scr[0:1, :] + jnp.dot(tri, oh, preferred_element_type=jnp.float32)

    w1_ref[...] = m1 / s
    w2_ref[...] = m2 / s
    i1_ref[...] = i1.astype(jnp.float32)
    i2_ref[...] = i2.astype(jnp.float32)
    r1_ref[...] = jnp.sum(cum * oh1, axis=-1, keepdims=True)
    r2_ref[...] = jnp.sum(cum * oh2, axis=-1, keepdims=True)

    run_scr[0:1, :] += jnp.sum(oh, axis=0, keepdims=True)
    cnt_ref[...] = jnp.broadcast_to(run_scr[0:1, :], (8, E))

    @pl.when(b == _NTB - 1)
    def _meta():
        _compute_meta(run_scr, meta_ref)


def _compute_meta(run_scr, meta_ref):
    cnt_row = run_scr[0:1, :]
    nt = jnp.floor((cnt_row + (M - 1)) * (1.0 / M))
    er = lax.broadcasted_iota(jnp.int32, (E, E), 0)
    ec = lax.broadcasted_iota(jnp.int32, (E, E), 1)
    tri_le = (er <= ec).astype(jnp.float32)
    cum_row = jnp.dot(nt, tri_le, preferred_element_type=jnp.float32)
    base_row = (cum_row - nt) * float(M)
    used = cum_row[:, E - 1:E]
    cum_col = lax.dot_general(
        (er >= ec).astype(jnp.float32), nt,
        (((1,), (1,)), ((), ())),
        preferred_element_type=jnp.float32)
    colg = lax.broadcasted_iota(jnp.int32, (E, 2 * E), 1).astype(jnp.float32)
    ge = (cum_col <= colg).astype(jnp.float32)
    eid_row = jnp.dot(jnp.ones((1, E), jnp.float32), ge,
                      preferred_element_type=jnp.float32)
    eid_row = jnp.minimum(eid_row, float(E - 1))
    meta_ref[...] = jnp.concatenate(
        [eid_row,
         jnp.concatenate([base_row, jnp.zeros((1, E), jnp.float32)], axis=1),
         jnp.broadcast_to(used, (1, 2 * E)),
         jnp.zeros((5, 2 * E), jnp.float32)], axis=0)


def _router(x, gw):
    col = jax.ShapeDtypeStruct((T, 1), jnp.float32)
    return pl.pallas_call(
        _router_body,
        grid=(_NTB,),
        in_specs=[
            pl.BlockSpec((_TB, H), lambda b: (b, 0)),
            pl.BlockSpec((H, E), lambda b: (0, 0)),
        ],
        out_specs=[pl.BlockSpec((_TB, 1), lambda b: (b, 0))] * 6
        + [pl.BlockSpec((8, E), lambda b: (0, 0)),
           pl.BlockSpec((8, 2 * E), lambda b: (0, 0))],
        out_shape=[col] * 6 + [jax.ShapeDtypeStruct((8, E), jnp.float32),
                               jax.ShapeDtypeStruct((8, 2 * E), jnp.float32)],
        scratch_shapes=[pltpu.VMEM((8, E), jnp.float32)],
    )(x, gw)



def _sc_dispatch(x, i1f, i2f, r1f, r2f, meta):
    tok_per_w = T // _NW
    rows_per_w = P // _NW
    chunk = 48
    mesh = plsc.VectorSubcoreMesh(core_axis_name="c", subcore_axis_name="s")

    @functools.partial(
        pl.kernel, mesh=mesh,
        compiler_params=pltpu.CompilerParams(needs_layout_passes=False),
        out_type=(
            jax.ShapeDtypeStruct((P, H), jnp.float32),
            jax.ShapeDtypeStruct((T,), jnp.int32),
            jax.ShapeDtypeStruct((T,), jnp.int32),
            jax.ShapeDtypeStruct((G,), jnp.int32),
            jax.ShapeDtypeStruct((16,), jnp.int32),
        ),
        scratch_types=[
            pltpu.VMEM((2 * E,), jnp.float32),
            pltpu.VMEM((E,), jnp.int32),
            pltpu.VMEM((T,), jnp.float32),
            pltpu.VMEM((T,), jnp.float32),
            pltpu.VMEM((T,), jnp.float32),
            pltpu.VMEM((T,), jnp.float32),
            pltpu.VMEM((tok_per_w,), jnp.int32),
            pltpu.VMEM((tok_per_w,), jnp.int32),
            pltpu.VMEM((rows_per_w,), jnp.int32),
            pltpu.VMEM((G,), jnp.int32),
            pltpu.VMEM((16,), jnp.int32),
            pltpu.VMEM((chunk, H), jnp.float32),
            pltpu.VMEM((chunk, H), jnp.float32),
            pltpu.SemaphoreType.DMA,
            pltpu.SemaphoreType.DMA,
            pltpu.SemaphoreType.DMA,
            pltpu.SemaphoreType.DMA,
        ],
    )
    def k(x_hbm, i1_hbm, i2_hbm, r1_hbm, r2_hbm, meta_hbm,
          xs_hbm, p1_hbm, p2_hbm, eid_hbm, used_hbm,
          mrow_v, base_v, i1_v, i2_v, r1_v, r2_v,
          pos1_v, pos2_v, src_v, eid_v, used_v, b0, b1, sem0, sem1, wsem0, wsem1):
        wid = lax.axis_index("s") * _NC + lax.axis_index("c")
        tok0 = wid * tok_per_w
        row0 = wid * rows_per_w

        pltpu.sync_copy(i1_hbm, i1_v)
        pltpu.sync_copy(i2_hbm, i2_v)
        pltpu.sync_copy(r1_hbm, r1_v)
        pltpu.sync_copy(r2_hbm, r2_v)

        pltpu.sync_copy(meta_hbm.at[1], mrow_v)
        for v in range(E // _L):
            base_v[pl.ds(v * _L, _L)] = mrow_v[pl.ds(v * _L, _L)].astype(jnp.int32)

        def initv(v, carry):
            src_v[pl.ds(v * _L, _L)] = (
                lax.iota(jnp.int32, _L) + (row0 + v * _L)) & (T - 1)
            return carry

        lax.fori_loop(0, rows_per_w // _L, initv, 0, unroll=4)

        def scan(v, carry):
            sl = pl.ds(v * _L, _L)
            tok16 = lax.iota(jnp.int32, _L) + v * _L
            e16 = i1_v[sl].astype(jnp.int32)
            p16 = plsc.load_gather(base_v, [e16]) + r1_v[sl].astype(jnp.int32)
            rel1 = p16 - row0
            plsc.store_scatter(src_v, [rel1], tok16,
                               mask=(rel1 >= 0) & (rel1 < rows_per_w))
            f16 = i2_v[sl].astype(jnp.int32)
            q16 = plsc.load_gather(base_v, [f16]) + r2_v[sl].astype(jnp.int32)
            rel2 = q16 - row0
            plsc.store_scatter(src_v, [rel2], tok16,
                               mask=(rel2 >= 0) & (rel2 < rows_per_w))

            @pl.when(v // (tok_per_w // _L) == wid)
            def _():
                u = v % (tok_per_w // _L)
                usl = pl.ds(u * _L, _L)
                pos1_v[usl] = p16
                pos2_v[usl] = q16

            return carry

        lax.fori_loop(0, T // _L, scan, 0, unroll=False)
        pltpu.sync_copy(pos1_v, p1_hbm.at[pl.ds(tok0, tok_per_w)])
        pltpu.sync_copy(pos2_v, p2_hbm.at[pl.ds(tok0, tok_per_w)])

        @pl.when(wid == 0)
        def _():
            pltpu.sync_copy(meta_hbm.at[0], mrow_v)
            for v in range(G // _L):
                sl = pl.ds(v * _L, _L)
                eid_v[sl] = mrow_v[sl].astype(jnp.int32)
            pltpu.sync_copy(eid_v, eid_hbm)

        pltpu.sync_copy(meta_hbm.at[2], mrow_v)
        uf16 = mrow_v[pl.ds(0, _L)]
        used_s = uf16[0].astype(jnp.int32)

        @pl.when(wid == 0)
        def _():
            used_v[...] = uf16.astype(jnp.int32)
            pltpu.sync_copy(used_v, used_hbm)

        cnt_rows = jnp.clip(used_s * M - row0, 0, rows_per_w)
        nch = (cnt_rows + chunk - 1) // chunk

        def pair(cp, carry):
            c0 = 2 * cp
            c1 = c0 + 1
            d0 = pltpu.make_async_copy(
                x_hbm.at[src_v.at[pl.ds(c0 * chunk, chunk)]], b0, sem0)
            d1 = pltpu.make_async_copy(
                x_hbm.at[src_v.at[pl.ds(c1 * chunk, chunk)]], b1, sem1)
            w0 = pltpu.make_async_copy(
                b0, xs_hbm.at[pl.ds(row0 + c0 * chunk, chunk)], wsem0)
            w1 = pltpu.make_async_copy(
                b1, xs_hbm.at[pl.ds(row0 + c1 * chunk, chunk)], wsem1)
            pw0 = pltpu.make_async_copy(
                b0, xs_hbm.at[pl.ds(row0 + (c0 - 2) * chunk, chunk)], wsem0)
            pw1 = pltpu.make_async_copy(
                b1, xs_hbm.at[pl.ds(row0 + (c1 - 2) * chunk, chunk)], wsem1)

            @pl.when((cp > 0) & (c0 < nch))
            def _():
                pw0.wait()

            @pl.when(c0 < nch)
            def _():
                d0.start()

            @pl.when((cp > 0) & (c1 < nch))
            def _():
                pw1.wait()

            @pl.when(c1 < nch)
            def _():
                d1.start()

            @pl.when(c0 < nch)
            def _():
                d0.wait()
                w0.start()

            @pl.when(c1 < nch)
            def _():
                d1.wait()
                w1.start()

            return carry

        lax.fori_loop(0, (nch + 1) // 2, pair, 0, unroll=False)

        @pl.when(nch >= 1)
        def _():
            lastc = nch - 1
            pltpu.make_async_copy(
                b0, xs_hbm.at[pl.ds(row0 + lastc * chunk, chunk)], wsem0).wait()

        @pl.when(nch >= 2)
        def _():
            lastc = nch - 2
            pltpu.make_async_copy(
                b1, xs_hbm.at[pl.ds(row0 + lastc * chunk, chunk)], wsem1).wait()

    return k(x, i1f, i2f, r1f, r2f, meta)



def _gmm_body(eid_ref, used_ref, xs_ref, guw_ref, dw_ref, out_ref):
    g = pl.program_id(0)

    @pl.when(g < used_ref[0])
    def _():
        xs = xs_ref[...]
        gu = jnp.dot(xs, guw_ref[0], preferred_element_type=jnp.float32)
        a = gu[:, :F]
        u = gu[:, F:]
        h = a * jax.nn.sigmoid(a) * u
        out_ref[...] = jnp.dot(h, dw_ref[0], preferred_element_type=jnp.float32)


def _gmm(eid, used, xs, guw, dw):
    grid_spec = pltpu.PrefetchScalarGridSpec(
        num_scalar_prefetch=2,
        grid=(G,),
        in_specs=[
            pl.BlockSpec((M, H), lambda g, eid, u: (jnp.minimum(g, u[0] - 1), 0)),
            pl.BlockSpec((1, H, 2 * F), lambda g, eid, u: (eid[g], 0, 0)),
            pl.BlockSpec((1, F, H), lambda g, eid, u: (eid[g], 0, 0)),
        ],
        out_specs=pl.BlockSpec(
            (M, H), lambda g, eid, u: (jnp.minimum(g, u[0] - 1), 0)),
    )
    return pl.pallas_call(
        _gmm_body,
        grid_spec=grid_spec,
        out_shape=jax.ShapeDtypeStruct((P, H), jnp.float32),
    )(eid, used, xs, guw, dw)



def _sc_combine(out_sorted, pos1, pos2, w1, w2):
    tok_per_w = T // _NW
    chunk = 32
    nchunks = tok_per_w // chunk
    hvecs = H // _L
    mesh = plsc.VectorSubcoreMesh(core_axis_name="c", subcore_axis_name="s")

    @functools.partial(
        pl.kernel, mesh=mesh,
        compiler_params=pltpu.CompilerParams(needs_layout_passes=False),
        out_type=jax.ShapeDtypeStruct((T, H), jnp.float32),
        scratch_types=[
            pltpu.VMEM((tok_per_w,), jnp.int32),
            pltpu.VMEM((tok_per_w,), jnp.int32),
            pltpu.VMEM((tok_per_w,), jnp.float32),
            pltpu.VMEM((tok_per_w,), jnp.float32),
            pltpu.VMEM((chunk, H), jnp.float32),
            pltpu.VMEM((chunk, H), jnp.float32),
            pltpu.SemaphoreType.DMA,
        ],
    )
    def k(os_hbm, p1_hbm, p2_hbm, w1_hbm, w2_hbm, out_hbm,
          i1_v, i2_v, w1_v, w2_v, b1_v, b2_v, sem):
        wid = lax.axis_index("s") * _NC + lax.axis_index("c")
        base = wid * tok_per_w
        pltpu.sync_copy(p1_hbm.at[pl.ds(base, tok_per_w)], i1_v)
        pltpu.sync_copy(p2_hbm.at[pl.ds(base, tok_per_w)], i2_v)
        pltpu.sync_copy(w1_hbm.at[pl.ds(base, tok_per_w)], w1_v)
        pltpu.sync_copy(w2_hbm.at[pl.ds(base, tok_per_w)], w2_v)

        def body(c, carry):
            pltpu.async_copy(
                os_hbm.at[i1_v.at[pl.ds(c * chunk, chunk)]], b1_v, sem
            ).wait()
            pltpu.async_copy(
                os_hbm.at[i2_v.at[pl.ds(c * chunk, chunk)]], b2_v, sem
            ).wait()

            def row(r, rc):
                ridx = jnp.full((_L,), c * chunk + r, jnp.int32)
                ws1 = plsc.load_gather(w1_v, [ridx])
                ws2 = plsc.load_gather(w2_v, [ridx])

                def add(j, jc):
                    slj = pl.ds(j * _L, _L)
                    b1_v[r, slj] = ws1 * b1_v[r, slj] + ws2 * b2_v[r, slj]
                    return jc

                lax.fori_loop(0, hvecs, add, 0, unroll=4)
                return rc

            lax.fori_loop(0, chunk, row, 0, unroll=False)
            pltpu.sync_copy(
                b1_v, out_hbm.at[pl.ds(base + c * chunk, chunk)]
            )
            return carry

        lax.fori_loop(0, nchunks, body, 0, unroll=False)

    return k(out_sorted, pos1, pos2, w1, w2)



def kernel(hidden_states, gate_weight, gate_up_weight, down_weight):
    x = hidden_states
    w1, w2, i1f, i2f, r1f, r2f, cnt8, meta = _router(x, gate_weight)

    xs, pos1, pos2, eid, used = _sc_dispatch(
        x, i1f.reshape(T), i2f.reshape(T), r1f.reshape(T), r2f.reshape(T), meta)
    out_sorted = _gmm(eid, used, xs, gate_up_weight, down_weight)
    return _sc_combine(out_sorted, pos1, pos2, w1.reshape(T), w2.reshape(T))

# --- scband reference (transcript-rebuilt; emitter-appended) ---
"""Pipeline reference for scband-qwen3-moe-sparse-moe-block-90117003804875 (READ-ONLY COPY).

The authoritative reference and input builder live on the scoring server;
editing this copy changes nothing except your own understanding.
"""

import jax, jax.numpy as jnp
import numpy as np

E = 64
K = 2
H = 1024
F = 512
T = 2048


def silu(v):
    return v * jax.nn.sigmoid(v)


def setup_inputs(seed: int = 0) -> dict:
    key = jax.random.key(seed)
    ks = jax.random.split(key, 4)
    hidden_states = jax.random.normal(ks[0], (T, H), dtype=jnp.float32)
    gate_weight = jax.random.normal(ks[1], (H, E), dtype=jnp.float32) * 0.02
    gate_up_weight = jax.random.normal(ks[2], (E, H, 2 * F), dtype=jnp.float32) * 0.02
    down_weight = jax.random.normal(ks[3], (E, F, H), dtype=jnp.float32) * 0.02
    return {
        "hidden_states": hidden_states,
        "gate_weight": gate_weight,
        "gate_up_weight": gate_up_weight,
        "down_weight": down_weight,
    }


def reference(hidden_states, gate_weight, gate_up_weight, down_weight):
    x = hidden_states
    # router (RowParallelLinear gate)
    router_logits = x @ gate_weight
    routing_weights = jax.nn.softmax(router_logits.astype(jnp.float32), axis=-1)
    top_w, top_i = jax.lax.top_k(routing_weights, K)
    # norm_topk_prob = True
    top_w = top_w / jnp.sum(top_w, axis=-1, keepdims=True)
    top_w = top_w.astype(x.dtype)

    final = jnp.zeros_like(x)

    def body(final, inputs):
        e, gu_w, d_w = inputs
        w = jnp.sum(top_w * (top_i == e).astype(top_w.dtype), axis=-1)
        gate_up = x @ gu_w
        h = silu(gate_up[:, :F]) * gate_up[:, F:]
        out = (h @ d_w) * w[:, None]
        return final + out, None

    num_experts = gate_up_weight.shape[0]
    final, _ = jax.lax.scan(
        body,
        final,
        (jnp.arange(num_experts, dtype=top_i.dtype), gate_up_weight, down_weight),
    )
    return final

if __name__ == "__main__":
    import jax
    _d = setup_inputs()
    print(jax.jit(kernel)(*tuple(_d.values())))

</pallas_src>

<mosaic_0001>
#map = affine_map<(d0, d1) -> (0, 0)>
#map1 = affine_map<(d0, d1) -> (0)>
module attributes {stable_mosaic.version = 14 : i64} {
  func.func @k(%arg0: i32, %arg1: i32, %arg2: memref<2048x1024xf32, #tpu.memory_space<hbm>>, %arg3: memref<2048xf32, #tpu.memory_space<hbm>>, %arg4: memref<2048xf32, #tpu.memory_space<hbm>>, %arg5: memref<2048xf32, #tpu.memory_space<hbm>>, %arg6: memref<2048xf32, #tpu.memory_space<hbm>>, %arg7: memref<8x128xf32, #tpu.memory_space<hbm>>, %arg8: memref<12288x1024xf32, #tpu.memory_space<hbm>>, %arg9: memref<2048xi32, #tpu.memory_space<hbm>>, %arg10: memref<2048xi32, #tpu.memory_space<hbm>>, %arg11: memref<96xi32, #tpu.memory_space<hbm>>, %arg12: memref<16xi32, #tpu.memory_space<hbm>>, %arg13: memref<128xf32, #tpu.memory_space<vmem>>, %arg14: memref<64xi32, #tpu.memory_space<vmem>>, %arg15: memref<2048xf32, #tpu.memory_space<vmem>>, %arg16: memref<2048xf32, #tpu.memory_space<vmem>>, %arg17: memref<2048xf32, #tpu.memory_space<vmem>>, %arg18: memref<2048xf32, #tpu.memory_space<vmem>>, %arg19: memref<64xi32, #tpu.memory_space<vmem>>, %arg20: memref<64xi32, #tpu.memory_space<vmem>>, %arg21: memref<384xi32, #tpu.memory_space<vmem>>, %arg22: memref<96xi32, #tpu.memory_space<vmem>>, %arg23: memref<16xi32, #tpu.memory_space<vmem>>, %arg24: memref<48x1024xf32, #tpu.memory_space<vmem>>, %arg25: memref<48x1024xf32, #tpu.memory_space<vmem>>, %arg26: memref<!tpu.dma_semaphore, #tpu.memory_space<semaphore_mem>>, %arg27: memref<!tpu.dma_semaphore, #tpu.memory_space<semaphore_mem>>, %arg28: memref<!tpu.dma_semaphore, #tpu.memory_space<semaphore_mem>>, %arg29: memref<!tpu.dma_semaphore, #tpu.memory_space<semaphore_mem>>) attributes {dimension_semantics = [#tpu.dimension_semantics<core_parallel>, #tpu.dimension_semantics<subcore_parallel>], iteration_bounds = array<i64: 2, 16>, scalar_prefetch = 0 : i64, scratch_operands = 17 : i64, tpu.core_type = #tpu.core_type<sc_vector_subcore>, window_params = [{transform_indices = #map}, {transform_indices = #map1}, {transform_indices = #map1}, {transform_indices = #map1}, {transform_indices = #map1}, {transform_indices = #map}, {transform_indices = #map}, {transform_indices = #map1}, {transform_indices = #map1}, {transform_indices = #map1}, {transform_indices = #map1}]} {
    %mul3A = arith.constant 2 : i32
    %mul3A_0 = arith.muli %arg1, %mul3A : i32
    %add3A = arith.addi %mul3A_0, %arg0 : i32
    %mul3A_1 = arith.constant 64 : i32
    %mul3A_2 = arith.muli %add3A, %mul3A_1 : i32
    %mul3A_3 = arith.constant 384 : i32
    %mul3A_4 = arith.muli %add3A, %mul3A_3 : i32
    "tpu.region"() ({
      %run_scoped3A_114 = tpu.sem_alloc : memref<!tpu.dma_semaphore, #tpu.memory_space<semaphore_mem>>
      tpu.enqueue_dma source(%arg3 : memref<2048xf32, #tpu.memory_space<hbm>>) target(%arg15 : memref<2048xf32, #tpu.memory_space<vmem>>) target_semaphore(%run_scoped3A_114 : memref<!tpu.dma_semaphore, #tpu.memory_space<semaphore_mem>>)
      tpu.wait_dma2 semaphore(%run_scoped3A_114 : memref<!tpu.dma_semaphore, #tpu.memory_space<semaphore_mem>>) src(%arg3 : memref<2048xf32, #tpu.memory_space<hbm>>) dst(%arg15 : memref<2048xf32, #tpu.memory_space<vmem>>)
      tpu.yield
    }) : () -> ()
    "tpu.region"() ({
      %run_scoped3A_114 = tpu.sem_alloc : memref<!tpu.dma_semaphore, #tpu.memory_space<semaphore_mem>>
      tpu.enqueue_dma source(%arg4 : memref<2048xf32, #tpu.memory_space<hbm>>) target(%arg16 : memref<2048xf32, #tpu.memory_space<vmem>>) target_semaphore(%run_scoped3A_114 : memref<!tpu.dma_semaphore, #tpu.memory_space<semaphore_mem>>)
      tpu.wait_dma2 semaphore(%run_scoped3A_114 : memref<!tpu.dma_semaphore, #tpu.memory_space<semaphore_mem>>) src(%arg4 : memref<2048xf32, #tpu.memory_space<hbm>>) dst(%arg16 : memref<2048xf32, #tpu.memory_space<vmem>>)
      tpu.yield
    }) : () -> ()
    "tpu.region"() ({
      %run_scoped3A_114 = tpu.sem_alloc : memref<!tpu.dma_semaphore, #tpu.memory_space<semaphore_mem>>
      tpu.enqueue_dma source(%arg5 : memref<2048xf32, #tpu.memory_space<hbm>>) target(%arg17 : memref<2048xf32, #tpu.memory_space<vmem>>) target_semaphore(%run_scoped3A_114 : memref<!tpu.dma_semaphore, #tpu.memory_space<semaphore_mem>>)
      tpu.wait_dma2 semaphore(%run_scoped3A_114 : memref<!tpu.dma_semaphore, #tpu.memory_space<semaphore_mem>>) src(%arg5 : memref<2048xf32, #tpu.memory_space<hbm>>) dst(%arg17 : memref<2048xf32, #tpu.memory_space<vmem>>)
      tpu.yield
    }) : () -> ()
    "tpu.region"() ({
      %run_scoped3A_114 = tpu.sem_alloc : memref<!tpu.dma_semaphore, #tpu.memory_space<semaphore_mem>>
      tpu.enqueue_dma source(%arg6 : memref<2048xf32, #tpu.memory_space<hbm>>) target(%arg18 : memref<2048xf32, #tpu.memory_space<vmem>>) target_semaphore(%run_scoped3A_114 : memref<!tpu.dma_semaphore, #tpu.memory_space<semaphore_mem>>)
      tpu.wait_dma2 semaphore(%run_scoped3A_114 : memref<!tpu.dma_semaphore, #tpu.memory_space<semaphore_mem>>) src(%arg6 : memref<2048xf32, #tpu.memory_space<hbm>>) dst(%arg18 : memref<2048xf32, #tpu.memory_space<vmem>>)
      tpu.yield
    }) : () -> ()
    %run_scoped3A = arith.constant 1 : i32
    "tpu.region"() ({
      %run_scoped3A_114 = tpu.sem_alloc : memref<!tpu.dma_semaphore, #tpu.memory_space<semaphore_mem>>
      %dma_start3A = arith.constant 0 : i32
      %dma_start3A_115 = tpu.memref_slice %arg7[%run_scoped3A, %dma_start3A] : memref<8x128xf32, #tpu.memory_space<hbm>> -> memref<1x128xf32, #tpu.memory_space<hbm>>
      %dma_start3A_116 = tpu.memref_squeeze %dma_start3A_115 : memref<1x128xf32, #tpu.memory_space<hbm>> -> memref<128xf32, #tpu.memory_space<hbm>>
      %dma_start3A_117 = arith.constant 0 : i32
      %dma_start3A_118 = tpu.memref_slice %arg7[%run_scoped3A, %dma_start3A_117] : memref<8x128xf32, #tpu.memory_space<hbm>> -> memref<1x128xf32, #tpu.memory_space<hbm>>
      %dma_start3A_119 = tpu.memref_squeeze %dma_start3A_118 : memref<1x128xf32, #tpu.memory_space<hbm>> -> memref<128xf32, #tpu.memory_space<hbm>>
      tpu.enqueue_dma source(%dma_start3A_119 : memref<128xf32, #tpu.memory_space<hbm>>) target(%arg13 : memref<128xf32, #tpu.memory_space<vmem>>) target_semaphore(%run_scoped3A_114 : memref<!tpu.dma_semaphore, #tpu.memory_space<semaphore_mem>>)
      %dma_wait3A = arith.constant 0 : i32
      %dma_wait3A_120 = tpu.memref_slice %arg7[%run_scoped3A, %dma_wait3A] : memref<8x128xf32, #tpu.memory_space<hbm>> -> memref<1x128xf32, #tpu.memory_space<hbm>>
      %dma_wait3A_121 = tpu.memref_squeeze %dma_wait3A_120 : memref<1x128xf32, #tpu.memory_space<hbm>> -> memref<128xf32, #tpu.memory_space<hbm>>
      %dma_wait3A_122 = arith.constant 0 : i32
      %dma_wait3A_123 = tpu.memref_slice %arg7[%run_scoped3A, %dma_wait3A_122] : memref<8x128xf32, #tpu.memory_space<hbm>> -> memref<1x128xf32, #tpu.memory_space<hbm>>
      %dma_wait3A_124 = tpu.memref_squeeze %dma_wait3A_123 : memref<1x128xf32, #tpu.memory_space<hbm>> -> memref<128xf32, #tpu.memory_space<hbm>>
      tpu.wait_dma2 semaphore(%run_scoped3A_114 : memref<!tpu.dma_semaphore, #tpu.memory_space<semaphore_mem>>) src(%dma_wait3A_124 : memref<128xf32, #tpu.memory_space<hbm>>) dst(%arg13 : memref<128xf32, #tpu.memory_space<vmem>>)
      tpu.yield
    }) : () -> ()
    %get3A = arith.constant 0 : index
    %get3A_5 = tpu.vector_load %arg13[%get3A] {strides = array<i32>} : memref<128xf32, #tpu.memory_space<vmem>>, vector<16xf32>,
    %convert_element_type3A = arith.fptosi %get3A_5 : vector<16xf32> to vector<16xi32>
    %swap3A = arith.constant 0 : index
    %swap3A_6 = tpu.vector_load %arg14[%swap3A] {strides = array<i32>} : memref<64xi32, #tpu.memory_space<vmem>>, vector<16xi32>,
    tpu.vector_store %arg14[%swap3A], %convert_element_type3A {strides = array<i32>} : memref<64xi32, #tpu.memory_space<vmem>>, vector<16xi32>,
    %get3A_7 = arith.constant 16 : index
    %get3A_8 = tpu.vector_load %arg13[%get3A_7] {strides = array<i32>} : memref<128xf32, #tpu.memory_space<vmem>>, vector<16xf32>,
    %convert_element_type3A_9 = arith.fptosi %get3A_8 : vector<16xf32> to vector<16xi32>
    %swap3A_10 = arith.constant 16 : index
    %swap3A_11 = tpu.vector_load %arg14[%swap3A_10] {strides = array<i32>} : memref<64xi32, #tpu.memory_space<vmem>>, vector<16xi32>,
    tpu.vector_store %arg14[%swap3A_10], %convert_element_type3A_9 {strides = array<i32>} : memref<64xi32, #tpu.memory_space<vmem>>, vector<16xi32>,
    %get3A_12 = arith.constant 32 : index
    %get3A_13 = tpu.vector_load %arg13[%get3A_12] {strides = array<i32>} : memref<128xf32, #tpu.memory_space<vmem>>, vector<16xf32>,
    %convert_element_type3A_14 = arith.fptosi %get3A_13 : vector<16xf32> to vector<16xi32>
    %swap3A_15 = arith.constant 32 : index
    %swap3A_16 = tpu.vector_load %arg14[%swap3A_15] {strides = array<i32>} : memref<64xi32, #tpu.memory_space<vmem>>, vector<16xi32>,
    tpu.vector_store %arg14[%swap3A_15], %convert_element_type3A_14 {strides = array<i32>} : memref<64xi32, #tpu.memory_space<vmem>>, vector<16xi32>,
    %get3A_17 = arith.constant 48 : index
    %get3A_18 = tpu.vector_load %arg13[%get3A_17] {strides = array<i32>} : memref<128xf32, #tpu.memory_space<vmem>>, vector<16xf32>,
    %convert_element_type3A_19 = arith.fptosi %get3A_18 : vector<16xf32> to vector<16xi32>
    %swap3A_20 = arith.constant 48 : index
    %swap3A_21 = tpu.vector_load %arg14[%swap3A_20] {strides = array<i32>} : memref<64xi32, #tpu.memory_space<vmem>>, vector<16xi32>,
    tpu.vector_store %arg14[%swap3A_20], %convert_element_type3A_19 {strides = array<i32>} : memref<64xi32, #tpu.memory_space<vmem>>, vector<16xi32>,
    %scan3A = arith.constant 0 : i32
    %scan3A_22 = arith.constant 0 : i32
    %scan3A_23 = arith.constant 24 : i32
    %scan3A_24 = arith.addi %scan3A_22, %scan3A_23 : i32
    %scan3A_25 = arith.constant 4 : i32
    scf.for %scan3A_114 = %scan3A_22 to %scan3A_24 step %scan3A_25  : i32 {
      %iota3A = tpu.iota {dimensions = array<i32: 0>} : vector<16xi32>
      %mul3A_115 = arith.constant 16 : i32
      %mul3A_116 = arith.muli %scan3A_114, %mul3A_115 : i32
      %add3A_117 = arith.addi %mul3A_4, %mul3A_116 : i32
      %add3A_118 = vector.broadcast %add3A_117 : i32 to vector<16xi32>
      %add3A_119 = arith.addi %iota3A, %add3A_118 : vector<16xi32>
      %and3A_120 = arith.constant 2047 : i32
      %and3A_121 = vector.broadcast %and3A_120 : i32 to vector<16xi32>
      %and3A_122 = arith.andi %add3A_119, %and3A_121 : vector<16xi32>
      %mul3A_123 = arith.constant 16 : i32
      %mul3A_124 = arith.muli %scan3A_114, %mul3A_123 : i32
      %swap3A_125 = arith.index_cast %mul3A_124 : i32 to index
      %swap3A_126 = tpu.vector_load %arg21[%swap3A_125] {strides = array<i32>} : memref<384xi32, #tpu.memory_space<vmem>>, vector<16xi32>,
      tpu.vector_store %arg21[%swap3A_125], %and3A_122 {strides = array<i32>} : memref<384xi32, #tpu.memory_space<vmem>>, vector<16xi32>,
      %scan3A_127 = arith.constant 1 : i32
      %scan3A_128 = arith.addi %scan3A_114, %scan3A_127 : i32
      %iota3A_129 = tpu.iota {dimensions = array<i32: 0>} : vector<16xi32>
      %mul3A_130 = arith.constant 16 : i32
      %mul3A_131 = arith.muli %scan3A_128, %mul3A_130 : i32
      %add3A_132 = arith.addi %mul3A_4, %mul3A_131 : i32
      %add3A_133 = vector.broadcast %add3A_132 : i32 to vector<16xi32>
      %add3A_134 = arith.addi %iota3A_129, %add3A_133 : vector<16xi32>
      %and3A_135 = arith.constant 2047 : i32
      %and3A_136 = vector.broadcast %and3A_135 : i32 to vector<16xi32>
      %and3A_137 = arith.andi %add3A_134, %and3A_136 : vector<16xi32>
      %mul3A_138 = arith.constant 16 : i32
      %mul3A_139 = arith.muli %scan3A_128, %mul3A_138 : i32
      %swap3A_140 = arith.index_cast %mul3A_139 : i32 to index
      %swap3A_141 = tpu.vector_load %arg21[%swap3A_140] {strides = array<i32>} : memref<384xi32, #tpu.memory_space<vmem>>, vector<16xi32>,
      tpu.vector_store %arg21[%swap3A_140], %and3A_137 {strides = array<i32>} : memref<384xi32, #tpu.memory_space<vmem>>, vector<16xi32>,
      %scan3A_142 = arith.constant 2 : i32
      %scan3A_143 = arith.addi %scan3A_114, %scan3A_142 : i32
      %iota3A_144 = tpu.iota {dimensions = array<i32: 0>} : vector<16xi32>
      %mul3A_145 = arith.constant 16 : i32
      %mul3A_146 = arith.muli %scan3A_143, %mul3A_145 : i32
      %add3A_147 = arith.addi %mul3A_4, %mul3A_146 : i32
      %add3A_148 = vector.broadcast %add3A_147 : i32 to vector<16xi32>
      %add3A_149 = arith.addi %iota3A_144, %add3A_148 : vector<16xi32>
      %and3A_150 = arith.constant 2047 : i32
      %and3A_151 = vector.broadcast %and3A_150 : i32 to vector<16xi32>
      %and3A_152 = arith.andi %add3A_149, %and3A_151 : vector<16xi32>
      %mul3A_153 = arith.constant 16 : i32
      %mul3A_154 = arith.muli %scan3A_143, %mul3A_153 : i32
      %swap3A_155 = arith.index_cast %mul3A_154 : i32 to index
      %swap3A_156 = tpu.vector_load %arg21[%swap3A_155] {strides = array<i32>} : memref<384xi32, #tpu.memory_space<vmem>>, vector<16xi32>,
      tpu.vector_store %arg21[%swap3A_155], %and3A_152 {strides = array<i32>} : memref<384xi32, #tpu.memory_space<vmem>>, vector<16xi32>,
      %scan3A_157 = arith.constant 3 : i32
      %scan3A_158 = arith.addi %scan3A_114, %scan3A_157 : i32
      %iota3A_159 = tpu.iota {dimensions = array<i32: 0>} : vector<16xi32>
      %mul3A_160 = arith.constant 16 : i32
      %mul3A_161 = arith.muli %scan3A_158, %mul3A_160 : i32
      %add3A_162 = arith.addi %mul3A_4, %mul3A_161 : i32
      %add3A_163 = vector.broadcast %add3A_162 : i32 to vector<16xi32>
      %add3A_164 = arith.addi %iota3A_159, %add3A_163 : vector<16xi32>
      %and3A_165 = arith.constant 2047 : i32
      %and3A_166 = vector.broadcast %and3A_165 : i32 to vector<16xi32>
      %and3A_167 = arith.andi %add3A_164, %and3A_166 : vector<16xi32>
      %mul3A_168 = arith.constant 16 : i32
      %mul3A_169 = arith.muli %scan3A_158, %mul3A_168 : i32
      %swap3A_170 = arith.index_cast %mul3A_169 : i32 to index
      %swap3A_171 = tpu.vector_load %arg21[%swap3A_170] {strides = array<i32>} : memref<384xi32, #tpu.memory_space<vmem>>, vector<16xi32>,
      tpu.vector_store %arg21[%swap3A_170], %and3A_167 {strides = array<i32>} : memref<384xi32, #tpu.memory_space<vmem>>, vector<16xi32>,
    }
    %scan3A_26 = arith.constant 24 : i32
    %scan3A_27 = arith.constant 0 : i32
    %scan3A_28 = arith.constant 0 : i32
    %scan3A_29 = arith.constant 128 : i32
    %scan3A_30 = arith.addi %scan3A_28, %scan3A_29 : i32
    %scan3A_31 = arith.constant 1 : i32
    scf.for %scan3A_114 = %scan3A_28 to %scan3A_30 step %scan3A_31  : i32 {
      %mul3A_115 = arith.constant 16 : i32
      %mul3A_116 = arith.muli %scan3A_114, %mul3A_115 : i32
      %iota3A = tpu.iota {dimensions = array<i32: 0>} : vector<16xi32>
      %mul3A_117 = arith.constant 16 : i32
      %mul3A_118 = arith.muli %scan3A_114, %mul3A_117 : i32
      %add3A_119 = vector.broadcast %mul3A_118 : i32 to vector<16xi32>
      %add3A_120 = arith.addi %iota3A, %add3A_119 : vector<16xi32>
      %get3A_121 = arith.index_cast %mul3A_116 : i32 to index
      %get3A_122 = tpu.vector_load %arg15[%get3A_121] {strides = array<i32>} : memref<2048xf32, #tpu.memory_space<vmem>>, vector<16xf32>,
      %convert_element_type3A_123 = arith.fptosi %get3A_122 : vector<16xf32> to vector<16xi32>
      %gather3A = tpu.vector_load_idx %arg14[%convert_element_type3A_123] : memref<64xi32, #tpu.memory_space<vmem>>[vector<16xi32>], vector<16xi32>,
      %get3A_124 = arith.index_cast %mul3A_116 : i32 to index
      %get3A_125 = tpu.vector_load %arg17[%get3A_124] {strides = array<i32>} : memref<2048xf32, #tpu.memory_space<vmem>>, vector<16xf32>,
      %convert_element_type3A_126 = arith.fptosi %get3A_125 : vector<16xf32> to vector<16xi32>
      %add3A_127 = arith.addi %gather3A, %convert_element_type3A_126 : vector<16xi32>
      %sub3A_128 = vector.broadcast %mul3A_4 : i32 to vector<16xi32>
      %sub3A_129 = arith.subi %add3A_127, %sub3A_128 : vector<16xi32>
      %ge3A_130 = arith.constant 0 : i32
      %ge3A_131 = vector.broadcast %ge3A_130 : i32 to vector<16xi32>
      %ge3A_132 = arith.cmpi sge, %sub3A_129, %ge3A_131 : vector<16xi32>
      %lt3A = arith.constant 384 : i32
      %lt3A_133 = vector.broadcast %lt3A : i32 to vector<16xi32>
      %lt3A_134 = arith.cmpi slt, %sub3A_129, %lt3A_133 : vector<16xi32>
      %and3A_135 = arith.andi %ge3A_132, %lt3A_134 : vector<16xi1>
      tpu.vector_store_idx %arg21[%sub3A_129], %add3A_120 masked %and3A_135 : memref<384xi32, #tpu.memory_space<vmem>>[vector<16xi32>], vector<16xi32>, vector<16xi1>
      %get3A_136 = arith.index_cast %mul3A_116 : i32 to index
      %get3A_137 = tpu.vector_load %arg16[%get3A_136] {strides = array<i32>} : memref<2048xf32, #tpu.memory_space<vmem>>, vector<16xf32>,
      %convert_element_type3A_138 = arith.fptosi %get3A_137 : vector<16xf32> to vector<16xi32>
      %gather3A_139 = tpu.vector_load_idx %arg14[%convert_element_type3A_138] : memref<64xi32, #tpu.memory_space<vmem>>[vector<16xi32>], vector<16xi32>,
      %get3A_140 = arith.index_cast %mul3A_116 : i32 to index
      %get3A_141 = tpu.vector_load %arg18[%get3A_140] {strides = array<i32>} : memref<2048xf32, #tpu.memory_space<vmem>>, vector<16xf32>,
      %convert_element_type3A_142 = arith.fptosi %get3A_141 : vector<16xf32> to vector<16xi32>
      %add3A_143 = arith.addi %gather3A_139, %convert_element_type3A_142 : vector<16xi32>
      %sub3A_144 = vector.broadcast %mul3A_4 : i32 to vector<16xi32>
      %sub3A_145 = arith.subi %add3A_143, %sub3A_144 : vector<16xi32>
      %ge3A_146 = arith.constant 0 : i32
      %ge3A_147 = vector.broadcast %ge3A_146 : i32 to vector<16xi32>
      %ge3A_148 = arith.cmpi sge, %sub3A_145, %ge3A_147 : vector<16xi32>
      %lt3A_149 = arith.constant 384 : i32
      %lt3A_150 = vector.broadcast %lt3A_149 : i32 to vector<16xi32>
      %lt3A_151 = arith.cmpi slt, %sub3A_145, %lt3A_150 : vector<16xi32>
      %and3A_152 = arith.andi %ge3A_148, %lt3A_151 : vector<16xi1>
      tpu.vector_store_idx %arg21[%sub3A_145], %add3A_120 masked %and3A_152 : memref<384xi32, #tpu.memory_space<vmem>>[vector<16xi32>], vector<16xi32>, vector<16xi1>
      %jit3A_153 = arith.constant 4 : i32
      %div3A_154 = arith.divsi %scan3A_114, %jit3A_153 : i32
      %sign3A_155 = arith.constant 0 : i32
      %sign3A_156 = arith.cmpi sgt, %scan3A_114, %sign3A_155 : i32
      %sign3A_157 = arith.extui %sign3A_156 : i1 to i32
      %sign3A_158 = arith.constant 0 : i32
      %sign3A_159 = arith.cmpi slt, %scan3A_114, %sign3A_158 : i32
      %sign3A_160 = arith.extui %sign3A_159 : i1 to i32
      %sign3A_161 = arith.subi %sign3A_157, %sign3A_160 : i32
      %sign3A_162 = arith.constant 0 : i32
      %sign3A_163 = arith.cmpi sgt, %jit3A_153, %sign3A_162 : i32
      %sign3A_164 = arith.extui %sign3A_163 : i1 to i32
      %sign3A_165 = arith.constant 0 : i32
      %sign3A_166 = arith.cmpi slt, %jit3A_153, %sign3A_165 : i32
      %sign3A_167 = arith.extui %sign3A_166 : i1 to i32
      %sign3A_168 = arith.subi %sign3A_164, %sign3A_167 : i32
      %ne3A_169 = arith.cmpi ne, %sign3A_161, %sign3A_168 : i32
      %rem3A_170 = arith.remsi %scan3A_114, %jit3A_153 : i32
      %ne3A_171 = arith.constant 0 : i32
      %ne3A_172 = arith.cmpi ne, %rem3A_170, %ne3A_171 : i32
      %and3A_173 = arith.andi %ne3A_169, %ne3A_172 : i1
      %sub3A_174 = arith.constant 1 : i32
      %sub3A_175 = arith.subi %div3A_154, %sub3A_174 : i32
      %select_n3A_176 = arith.select %and3A_173, %sub3A_175, %div3A_154 : i32
      %eq3A_177 = arith.cmpi eq, %select_n3A_176, %add3A : i32
      %convert_element_type3A_178 = arith.extui %eq3A_177 : i1 to i32
      %cond3A_179 = arith.constant 0 : i32
      %cond3A_180 = arith.cmpi ne, %convert_element_type3A_178, %cond3A_179 : i32
      scf.if %cond3A_180 {
        %jit3A_181 = arith.constant 4 : i32
        %eq3A_182 = arith.constant 0 : i32
        %eq3A_183 = arith.cmpi eq, %jit3A_181, %eq3A_182 : i32
        %jit3A_184 = arith.constant 1 : i32
        %select_n3A_185 = arith.select %eq3A_183, %jit3A_184, %jit3A_181 : i32
        %rem3A_186 = arith.remsi %scan3A_114, %select_n3A_185 : i32
        %ne3A_187 = arith.constant 0 : i32
        %ne3A_188 = arith.cmpi ne, %rem3A_186, %ne3A_187 : i32
        %lt3A_189 = arith.constant 0 : i32
        %lt3A_190 = arith.cmpi slt, %rem3A_186, %lt3A_189 : i32
        %lt3A_191 = arith.constant 0 : i32
        %lt3A_192 = arith.cmpi slt, %select_n3A_185, %lt3A_191 : i32
        %ne3A_193 = arith.xori %lt3A_190, %lt3A_192 : i1
        %and3A_194 = arith.andi %ne3A_193, %ne3A_188 : i1
        %add3A_195 = arith.addi %rem3A_186, %select_n3A_185 : i32
        %select_n3A_196 = arith.select %and3A_194, %add3A_195, %rem3A_186 : i32
        %mul3A_197 = arith.constant 16 : i32
        %mul3A_198 = arith.muli %select_n3A_196, %mul3A_197 : i32
        %swap3A_199 = arith.index_cast %mul3A_198 : i32 to index
        %swap3A_200 = tpu.vector_load %arg19[%swap3A_199] {strides = array<i32>} : memref<64xi32, #tpu.memory_space<vmem>>, vector<16xi32>,
        tpu.vector_store %arg19[%swap3A_199], %add3A_127 {strides = array<i32>} : memref<64xi32, #tpu.memory_space<vmem>>, vector<16xi32>,
        %swap3A_201 = arith.index_cast %mul3A_198 : i32 to index
        %swap3A_202 = tpu.vector_load %arg20[%swap3A_201] {strides = array<i32>} : memref<64xi32, #tpu.memory_space<vmem>>, vector<16xi32>,
        tpu.vector_store %arg20[%swap3A_201], %add3A_143 {strides = array<i32>} : memref<64xi32, #tpu.memory_space<vmem>>, vector<16xi32>,
      } else {
      }
    }
    %scan3A_32 = arith.constant 128 : i32
    "tpu.region"() ({
      %run_scoped3A_114 = tpu.sem_alloc : memref<!tpu.dma_semaphore, #tpu.memory_space<semaphore_mem>>
      %dma_start3A = tpu.memref_slice %arg9[%mul3A_2] : memref<2048xi32, #tpu.memory_space<hbm>> -> memref<64xi32, #tpu.memory_space<hbm>>
      %dma_start3A_115 = tpu.memref_slice %arg9[%mul3A_2] : memref<2048xi32, #tpu.memory_space<hbm>> -> memref<64xi32, #tpu.memory_space<hbm>>
      tpu.enqueue_dma source(%arg19 : memref<64xi32, #tpu.memory_space<vmem>>) target(%dma_start3A_115 : memref<64xi32, #tpu.memory_space<hbm>>) target_semaphore(%run_scoped3A_114 : memref<!tpu.dma_semaphore, #tpu.memory_space<semaphore_mem>>)
      %dma_wait3A = tpu.memref_slice %arg9[%mul3A_2] : memref<2048xi32, #tpu.memory_space<hbm>> -> memref<64xi32, #tpu.memory_space<hbm>>
      %dma_wait3A_116 = tpu.memref_slice %arg9[%mul3A_2] : memref<2048xi32, #tpu.memory_space<hbm>> -> memref<64xi32, #tpu.memory_space<hbm>>
      tpu.wait_dma2 semaphore(%run_scoped3A_114 : memref<!tpu.dma_semaphore, #tpu.memory_space<semaphore_mem>>) src(%arg19 : memref<64xi32, #tpu.memory_space<vmem>>) dst(%dma_wait3A_116 : memref<64xi32, #tpu.memory_space<hbm>>)
      tpu.yield
    }) : () -> ()
    "tpu.region"() ({
      %run_scoped3A_114 = tpu.sem_alloc : memref<!tpu.dma_semaphore, #tpu.memory_space<semaphore_mem>>
      %dma_start3A = tpu.memref_slice %arg10[%mul3A_2] : memref<2048xi32, #tpu.memory_space<hbm>> -> memref<64xi32, #tpu.memory_space<hbm>>
      %dma_start3A_115 = tpu.memref_slice %arg10[%mul3A_2] : memref<2048xi32, #tpu.memory_space<hbm>> -> memref<64xi32, #tpu.memory_space<hbm>>
      tpu.enqueue_dma source(%arg20 : memref<64xi32, #tpu.memory_space<vmem>>) target(%dma_start3A_115 : memref<64xi32, #tpu.memory_space<hbm>>) target_semaphore(%run_scoped3A_114 : memref<!tpu.dma_semaphore, #tpu.memory_space<semaphore_mem>>)
      %dma_wait3A = tpu.memref_slice %arg10[%mul3A_2] : memref<2048xi32, #tpu.memory_space<hbm>> -> memref<64xi32, #tpu.memory_space<hbm>>
      %dma_wait3A_116 = tpu.memref_slice %arg10[%mul3A_2] : memref<2048xi32, #tpu.memory_space<hbm>> -> memref<64xi32, #tpu.memory_space<hbm>>
      tpu.wait_dma2 semaphore(%run_scoped3A_114 : memref<!tpu.dma_semaphore, #tpu.memory_space<semaphore_mem>>) src(%arg20 : memref<64xi32, #tpu.memory_space<vmem>>) dst(%dma_wait3A_116 : memref<64xi32, #tpu.memory_space<hbm>>)
      tpu.yield
    }) : () -> ()
    %eq3A = arith.constant 0 : i32
    %eq3A_33 = arith.cmpi eq, %add3A, %eq3A : i32
    %convert_element_type3A_34 = arith.extui %eq3A_33 : i1 to i32
    %cond3A = arith.constant 0 : i32
    %cond3A_35 = arith.cmpi ne, %convert_element_type3A_34, %cond3A : i32
    scf.if %cond3A_35 {
      %run_scoped3A_114 = arith.constant 0 : i32
      "tpu.region"() ({
        %run_scoped3A_145 = tpu.sem_alloc : memref<!tpu.dma_semaphore, #tpu.memory_space<semaphore_mem>>
        %dma_start3A = arith.constant 0 : i32
        %dma_start3A_146 = tpu.memref_slice %arg7[%run_scoped3A_114, %dma_start3A] : memref<8x128xf32, #tpu.memory_space<hbm>> -> memref<1x128xf32, #tpu.memory_space<hbm>>
        %dma_start3A_147 = tpu.memref_squeeze %dma_start3A_146 : memref<1x128xf32, #tpu.memory_space<hbm>> -> memref<128xf32, #tpu.memory_space<hbm>>
        %dma_start3A_148 = arith.constant 0 : i32
        %dma_start3A_149 = tpu.memref_slice %arg7[%run_scoped3A_114, %dma_start3A_148] : memref<8x128xf32, #tpu.memory_space<hbm>> -> memref<1x128xf32, #tpu.memory_space<hbm>>
        %dma_start3A_150 = tpu.memref_squeeze %dma_start3A_149 : memref<1x128xf32, #tpu.memory_space<hbm>> -> memref<128xf32, #tpu.memory_space<hbm>>
        tpu.enqueue_dma source(%dma_start3A_150 : memref<128xf32, #tpu.memory_space<hbm>>) target(%arg13 : memref<128xf32, #tpu.memory_space<vmem>>) target_semaphore(%run_scoped3A_145 : memref<!tpu.dma_semaphore, #tpu.memory_space<semaphore_mem>>)
        %dma_wait3A = arith.constant 0 : i32
        %dma_wait3A_151 = tpu.memref_slice %arg7[%run_scoped3A_114, %dma_wait3A] : memref<8x128xf32, #tpu.memory_space<hbm>> -> memref<1x128xf32, #tpu.memory_space<hbm>>
        %dma_wait3A_152 = tpu.memref_squeeze %dma_wait3A_151 : memref<1x128xf32, #tpu.memory_space<hbm>> -> memref<128xf32, #tpu.memory_space<hbm>>
        %dma_wait3A_153 = arith.constant 0 : i32
        %dma_wait3A_154 = tpu.memref_slice %arg7[%run_scoped3A_114, %dma_wait3A_153] : memref<8x128xf32, #tpu.memory_space<hbm>> -> memref<1x128xf32, #tpu.memory_space<hbm>>
        %dma_wait3A_155 = tpu.memref_squeeze %dma_wait3A_154 : memref<1x128xf32, #tpu.memory_space<hbm>> -> memref<128xf32, #tpu.memory_space<hbm>>
        tpu.wait_dma2 semaphore(%run_scoped3A_145 : memref<!tpu.dma_semaphore, #tpu.memory_space<semaphore_mem>>) src(%dma_wait3A_155 : memref<128xf32, #tpu.memory_space<hbm>>) dst(%arg13 : memref<128xf32, #tpu.memory_space<vmem>>)
        tpu.yield
      }) : () -> ()
      %get3A_115 = arith.constant 0 : index
      %get3A_116 = tpu.vector_load %arg13[%get3A_115] {strides = array<i32>} : memref<128xf32, #tpu.memory_space<vmem>>, vector<16xf32>,
      %convert_element_type3A_117 = arith.fptosi %get3A_116 : vector<16xf32> to vector<16xi32>
      %swap3A_118 = arith.constant 0 : index
      %swap3A_119 = tpu.vector_load %arg22[%swap3A_118] {strides = array<i32>} : memref<96xi32, #tpu.memory_space<vmem>>, vector<16xi32>,
      tpu.vector_store %arg22[%swap3A_118], %convert_element_type3A_117 {strides = array<i32>} : memref<96xi32, #tpu.memory_space<vmem>>, vector<16xi32>,
      %get3A_120 = arith.constant 16 : index
      %get3A_121 = tpu.vector_load %arg13[%get3A_120] {strides = array<i32>} : memref<128xf32, #tpu.memory_space<vmem>>, vector<16xf32>,
      %convert_element_type3A_122 = arith.fptosi %get3A_121 : vector<16xf32> to vector<16xi32>
      %swap3A_123 = arith.constant 16 : index
      %swap3A_124 = tpu.vector_load %arg22[%swap3A_123] {strides = array<i32>} : memref<96xi32, #tpu.memory_space<vmem>>, vector<16xi32>,
      tpu.vector_store %arg22[%swap3A_123], %convert_element_type3A_122 {strides = array<i32>} : memref<96xi32, #tpu.memory_space<vmem>>, vector<16xi32>,
      %get3A_125 = arith.constant 32 : index
      %get3A_126 = tpu.vector_load %arg13[%get3A_125] {strides = array<i32>} : memref<128xf32, #tpu.memory_space<vmem>>, vector<16xf32>,
      %convert_element_type3A_127 = arith.fptosi %get3A_126 : vector<16xf32> to vector<16xi32>
      %swap3A_128 = arith.constant 32 : index
      %swap3A_129 = tpu.vector_load %arg22[%swap3A_128] {strides = array<i32>} : memref<96xi32, #tpu.memory_space<vmem>>, vector<16xi32>,
      tpu.vector_store %arg22[%swap3A_128], %convert_element_type3A_127 {strides = array<i32>} : memref<96xi32, #tpu.memory_space<vmem>>, vector<16xi32>,
      %get3A_130 = arith.constant 48 : index
      %get3A_131 = tpu.vector_load %arg13[%get3A_130] {strides = array<i32>} : memref<128xf32, #tpu.memory_space<vmem>>, vector<16xf32>,
      %convert_element_type3A_132 = arith.fptosi %get3A_131 : vector<16xf32> to vector<16xi32>
      %swap3A_133 = arith.constant 48 : index
      %swap3A_134 = tpu.vector_load %arg22[%swap3A_133] {strides = array<i32>} : memref<96xi32, #tpu.memory_space<vmem>>, vector<16xi32>,
      tpu.vector_store %arg22[%swap3A_133], %convert_element_type3A_132 {strides = array<i32>} : memref<96xi32, #tpu.memory_space<vmem>>, vector<16xi32>,
      %get3A_135 = arith.constant 64 : index
      %get3A_136 = tpu.vector_load %arg13[%get3A_135] {strides = array<i32>} : memref<128xf32, #tpu.memory_space<vmem>>, vector<16xf32>,
      %convert_element_type3A_137 = arith.fptosi %get3A_136 : vector<16xf32> to vector<16xi32>
      %swap3A_138 = arith.constant 64 : index
      %swap3A_139 = tpu.vector_load %arg22[%swap3A_138] {strides = array<i32>} : memref<96xi32, #tpu.memory_space<vmem>>, vector<16xi32>,
      tpu.vector_store %arg22[%swap3A_138], %convert_element_type3A_137 {strides = array<i32>} : memref<96xi32, #tpu.memory_space<vmem>>, vector<16xi32>,
      %get3A_140 = arith.constant 80 : index
      %get3A_141 = tpu.vector_load %arg13[%get3A_140] {strides = array<i32>} : memref<128xf32, #tpu.memory_space<vmem>>, vector<16xf32>,
      %convert_element_type3A_142 = arith.fptosi %get3A_141 : vector<16xf32> to vector<16xi32>
      %swap3A_143 = arith.constant 80 : index
      %swap3A_144 = tpu.vector_load %arg22[%swap3A_143] {strides = array<i32>} : memref<96xi32, #tpu.memory_space<vmem>>, vector<16xi32>,
      tpu.vector_store %arg22[%swap3A_143], %convert_element_type3A_142 {strides = array<i32>} : memref<96xi32, #tpu.memory_space<vmem>>, vector<16xi32>,
      "tpu.region"() ({
        %run_scoped3A_145 = tpu.sem_alloc : memref<!tpu.dma_semaphore, #tpu.memory_space<semaphore_mem>>
        tpu.enqueue_dma source(%arg22 : memref<96xi32, #tpu.memory_space<vmem>>) target(%arg11 : memref<96xi32, #tpu.memory_space<hbm>>) target_semaphore(%run_scoped3A_145 : memref<!tpu.dma_semaphore, #tpu.memory_space<semaphore_mem>>)
        tpu.wait_dma2 semaphore(%run_scoped3A_145 : memref<!tpu.dma_semaphore, #tpu.memory_space<semaphore_mem>>) src(%arg22 : memref<96xi32, #tpu.memory_space<vmem>>) dst(%arg11 : memref<96xi32, #tpu.memory_space<hbm>>)
        tpu.yield
      }) : () -> ()
    } else {
    }
    %run_scoped3A_36 = arith.constant 2 : i32
    "tpu.region"() ({
      %run_scoped3A_114 = tpu.sem_alloc : memref<!tpu.dma_semaphore, #tpu.memory_space<semaphore_mem>>
      %dma_start3A = arith.constant 0 : i32
      %dma_start3A_115 = tpu.memref_slice %arg7[%run_scoped3A_36, %dma_start3A] : memref<8x128xf32, #tpu.memory_space<hbm>> -> memref<1x128xf32, #tpu.memory_space<hbm>>
      %dma_start3A_116 = tpu.memref_squeeze %dma_start3A_115 : memref<1x128xf32, #tpu.memory_space<hbm>> -> memref<128xf32, #tpu.memory_space<hbm>>
      %dma_start3A_117 = arith.constant 0 : i32
      %dma_start3A_118 = tpu.memref_slice %arg7[%run_scoped3A_36, %dma_start3A_117] : memref<8x128xf32, #tpu.memory_space<hbm>> -> memref<1x128xf32, #tpu.memory_space<hbm>>
      %dma_start3A_119 = tpu.memref_squeeze %dma_start3A_118 : memref<1x128xf32, #tpu.memory_space<hbm>> -> memref<128xf32, #tpu.memory_space<hbm>>
      tpu.enqueue_dma source(%dma_start3A_119 : memref<128xf32, #tpu.memory_space<hbm>>) target(%arg13 : memref<128xf32, #tpu.memory_space<vmem>>) target_semaphore(%run_scoped3A_114 : memref<!tpu.dma_semaphore, #tpu.memory_space<semaphore_mem>>)
      %dma_wait3A = arith.constant 0 : i32
      %dma_wait3A_120 = tpu.memref_slice %arg7[%run_scoped3A_36, %dma_wait3A] : memref<8x128xf32, #tpu.memory_space<hbm>> -> memref<1x128xf32, #tpu.memory_space<hbm>>
      %dma_wait3A_121 = tpu.memref_squeeze %dma_wait3A_120 : memref<1x128xf32, #tpu.memory_space<hbm>> -> memref<128xf32, #tpu.memory_space<hbm>>
      %dma_wait3A_122 = arith.constant 0 : i32
      %dma_wait3A_123 = tpu.memref_slice %arg7[%run_scoped3A_36, %dma_wait3A_122] : memref<8x128xf32, #tpu.memory_space<hbm>> -> memref<1x128xf32, #tpu.memory_space<hbm>>
      %dma_wait3A_124 = tpu.memref_squeeze %dma_wait3A_123 : memref<1x128xf32, #tpu.memory_space<hbm>> -> memref<128xf32, #tpu.memory_space<hbm>>
      tpu.wait_dma2 semaphore(%run_scoped3A_114 : memref<!tpu.dma_semaphore, #tpu.memory_space<semaphore_mem>>) src(%dma_wait3A_124 : memref<128xf32, #tpu.memory_space<hbm>>) dst(%arg13 : memref<128xf32, #tpu.memory_space<vmem>>)
      tpu.yield
    }) : () -> ()
    %get3A_37 = arith.constant 0 : index
    %get3A_38 = tpu.vector_load %arg13[%get3A_37] {strides = array<i32>} : memref<128xf32, #tpu.memory_space<vmem>>, vector<16xf32>,
    %slice3A = vector.extract_strided_slice %get3A_38 {offsets = [0], sizes = [1], strides = [1]} : vector<16xf32> to vector<1xf32>
    %squeeze3A = vector.extract %slice3A[0] : f32 from vector<1xf32>
    %convert_element_type3A_39 = arith.fptosi %squeeze3A : f32 to i32
    %eq3A_40 = arith.constant 0 : i32
    %eq3A_41 = arith.cmpi eq, %add3A, %eq3A_40 : i32
    %convert_element_type3A_42 = arith.extui %eq3A_41 : i1 to i32
    %cond3A_43 = arith.constant 0 : i32
    %cond3A_44 = arith.cmpi ne, %convert_element_type3A_42, %cond3A_43 : i32
    scf.if %cond3A_44 {
      %convert_element_type3A_114 = arith.fptosi %get3A_38 : vector<16xf32> to vector<16xi32>
      %swap3A_115 = arith.constant 0 : index
      %swap3A_116 = tpu.vector_load %arg23[%swap3A_115] {strides = array<i32>} : memref<16xi32, #tpu.memory_space<vmem>>, vector<16xi32>,
      tpu.vector_store %arg23[%swap3A_115], %convert_element_type3A_114 {strides = array<i32>} : memref<16xi32, #tpu.memory_space<vmem>>, vector<16xi32>,
      "tpu.region"() ({
        %run_scoped3A_117 = tpu.sem_alloc : memref<!tpu.dma_semaphore, #tpu.memory_space<semaphore_mem>>
        tpu.enqueue_dma source(%arg23 : memref<16xi32, #tpu.memory_space<vmem>>) target(%arg12 : memref<16xi32, #tpu.memory_space<hbm>>) target_semaphore(%run_scoped3A_117 : memref<!tpu.dma_semaphore, #tpu.memory_space<semaphore_mem>>)
        tpu.wait_dma2 semaphore(%run_scoped3A_117 : memref<!tpu.dma_semaphore, #tpu.memory_space<semaphore_mem>>) src(%arg23 : memref<16xi32, #tpu.memory_space<vmem>>) dst(%arg12 : memref<16xi32, #tpu.memory_space<hbm>>)
        tpu.yield
      }) : () -> ()
    } else {
    }
    %mul3A_45 = arith.constant 128 : i32
    %mul3A_46 = arith.muli %convert_element_type3A_39, %mul3A_45 : i32
    %sub3A = arith.subi %mul3A_46, %mul3A_4 : i32
    %jit3A = arith.constant 0 : i32
    %jit3A_47 = arith.constant 384 : i32
    %max3A = arith.maxsi %jit3A, %sub3A : i32
    %min3A = arith.minsi %jit3A_47, %max3A : i32
    %add3A_48 = arith.constant 48 : i32
    %add3A_49 = arith.addi %min3A, %add3A_48 : i32
    %sub3A_50 = arith.constant 1 : i32
    %sub3A_51 = arith.subi %add3A_49, %sub3A_50 : i32
    %jit3A_52 = arith.constant 48 : i32
    %div3A = arith.divsi %sub3A_51, %jit3A_52 : i32
    %sign3A = arith.constant 0 : i32
    %sign3A_53 = arith.cmpi sgt, %sub3A_51, %sign3A : i32
    %sign3A_54 = arith.extui %sign3A_53 : i1 to i32
    %sign3A_55 = arith.constant 0 : i32
    %sign3A_56 = arith.cmpi slt, %sub3A_51, %sign3A_55 : i32
    %sign3A_57 = arith.extui %sign3A_56 : i1 to i32
    %sign3A_58 = arith.subi %sign3A_54, %sign3A_57 : i32
    %sign3A_59 = arith.constant 0 : i32
    %sign3A_60 = arith.cmpi sgt, %jit3A_52, %sign3A_59 : i32
    %sign3A_61 = arith.extui %sign3A_60 : i1 to i32
    %sign3A_62 = arith.constant 0 : i32
    %sign3A_63 = arith.cmpi slt, %jit3A_52, %sign3A_62 : i32
    %sign3A_64 = arith.extui %sign3A_63 : i1 to i32
    %sign3A_65 = arith.subi %sign3A_61, %sign3A_64 : i32
    %ne3A = arith.cmpi ne, %sign3A_58, %sign3A_65 : i32
    %rem3A = arith.remsi %sub3A_51, %jit3A_52 : i32
    %ne3A_66 = arith.constant 0 : i32
    %ne3A_67 = arith.cmpi ne, %rem3A, %ne3A_66 : i32
    %and3A = arith.andi %ne3A, %ne3A_67 : i1
    %sub3A_68 = arith.constant 1 : i32
    %sub3A_69 = arith.subi %div3A, %sub3A_68 : i32
    %select_n3A = arith.select %and3A, %sub3A_69, %div3A : i32
    %add3A_70 = arith.constant 1 : i32
    %add3A_71 = arith.addi %select_n3A, %add3A_70 : i32
    %jit3A_72 = arith.constant 2 : i32
    %div3A_73 = arith.divsi %add3A_71, %jit3A_72 : i32
    %sign3A_74 = arith.constant 0 : i32
    %sign3A_75 = arith.cmpi sgt, %add3A_71, %sign3A_74 : i32
    %sign3A_76 = arith.extui %sign3A_75 : i1 to i32
    %sign3A_77 = arith.constant 0 : i32
    %sign3A_78 = arith.cmpi slt, %add3A_71, %sign3A_77 : i32
    %sign3A_79 = arith.extui %sign3A_78 : i1 to i32
    %sign3A_80 = arith.subi %sign3A_76, %sign3A_79 : i32
    %sign3A_81 = arith.constant 0 : i32
    %sign3A_82 = arith.cmpi sgt, %jit3A_72, %sign3A_81 : i32
    %sign3A_83 = arith.extui %sign3A_82 : i1 to i32
    %sign3A_84 = arith.constant 0 : i32
    %sign3A_85 = arith.cmpi slt, %jit3A_72, %sign3A_84 : i32
    %sign3A_86 = arith.extui %sign3A_85 : i1 to i32
    %sign3A_87 = arith.subi %sign3A_83, %sign3A_86 : i32
    %ne3A_88 = arith.cmpi ne, %sign3A_80, %sign3A_87 : i32
    %rem3A_89 = arith.remsi %add3A_71, %jit3A_72 : i32
    %ne3A_90 = arith.constant 0 : i32
    %ne3A_91 = arith.cmpi ne, %rem3A_89, %ne3A_90 : i32
    %and3A_92 = arith.andi %ne3A_88, %ne3A_91 : i1
    %sub3A_93 = arith.constant 1 : i32
    %sub3A_94 = arith.subi %div3A_73, %sub3A_93 : i32
    %select_n3A_95 = arith.select %and3A_92, %sub3A_94, %div3A_73 : i32
    %while3A = arith.constant 0 : i32
    %while3A_96 = arith.constant 0 : i32
    %while3A_97 = arith.subi %select_n3A_95, %while3A_96 : i32
    %while3A_98 = arith.addi %while3A_96, %while3A_97 : i32
    %while3A_99 = arith.constant 1 : i32
    %while3A_100 = arith.divsi %while3A_97, %while3A_99 : i32
    %while3A_101 = arith.muli %while3A_100, %while3A_99 : i32
    %while3A_102 = arith.addi %while3A_96, %while3A_101 : i32
    %while3A_103 = arith.constant 1 : i32
    scf.for %while3A_114 = %while3A_96 to %while3A_102 step %while3A_103  : i32 {
      %mul3A_115 = arith.constant 2 : i32
      %mul3A_116 = arith.muli %mul3A_115, %while3A_114 : i32
      %add3A_117 = arith.constant 1 : i32
      %add3A_118 = arith.addi %mul3A_116, %add3A_117 : i32
      %mul3A_119 = arith.constant 48 : i32
      %mul3A_120 = arith.muli %mul3A_116, %mul3A_119 : i32
      %mul3A_121 = arith.constant 48 : i32
      %mul3A_122 = arith.muli %add3A_118, %mul3A_121 : i32
      %mul3A_123 = arith.constant 48 : i32
      %mul3A_124 = arith.muli %mul3A_116, %mul3A_123 : i32
      %add3A_125 = arith.addi %mul3A_4, %mul3A_124 : i32
      %mul3A_126 = arith.constant 48 : i32
      %mul3A_127 = arith.muli %add3A_118, %mul3A_126 : i32
      %add3A_128 = arith.addi %mul3A_4, %mul3A_127 : i32
      %sub3A_129 = arith.constant 2 : i32
      %sub3A_130 = arith.subi %mul3A_116, %sub3A_129 : i32
      %mul3A_131 = arith.constant 48 : i32
      %mul3A_132 = arith.muli %sub3A_130, %mul3A_131 : i32
      %add3A_133 = arith.addi %mul3A_4, %mul3A_132 : i32
      %sub3A_134 = arith.constant 2 : i32
      %sub3A_135 = arith.subi %add3A_118, %sub3A_134 : i32
      %mul3A_136 = arith.constant 48 : i32
      %mul3A_137 = arith.muli %sub3A_135, %mul3A_136 : i32
      %add3A_138 = arith.addi %mul3A_4, %mul3A_137 : i32
      %gt3A = arith.constant 0 : i32
      %gt3A_139 = arith.cmpi sgt, %while3A_114, %gt3A : i32
      %lt3A = arith.cmpi slt, %mul3A_116, %select_n3A : i32
      %and3A_140 = arith.andi %gt3A_139, %lt3A : i1
      %convert_element_type3A_141 = arith.extui %and3A_140 : i1 to i32
      %cond3A_142 = arith.constant 0 : i32
      %cond3A_143 = arith.cmpi ne, %convert_element_type3A_141, %cond3A_142 : i32
      scf.if %cond3A_143 {
        %dma_wait3A = arith.constant 0 : i32
        %dma_wait3A_167 = tpu.memref_slice %arg8[%add3A_133, %dma_wait3A] : memref<12288x1024xf32, #tpu.memory_space<hbm>> -> memref<48x1024xf32, #tpu.memory_space<hbm>>
        %dma_wait3A_168 = arith.constant 0 : i32
        %dma_wait3A_169 = tpu.memref_slice %arg8[%add3A_133, %dma_wait3A_168] : memref<12288x1024xf32, #tpu.memory_space<hbm>> -> memref<48x1024xf32, #tpu.memory_space<hbm>>
        tpu.wait_dma2 semaphore(%arg28 : memref<!tpu.dma_semaphore, #tpu.memory_space<semaphore_mem>>) src(%arg24 : memref<48x1024xf32, #tpu.memory_space<vmem>>) dst(%dma_wait3A_169 : memref<48x1024xf32, #tpu.memory_space<hbm>>)
      } else {
      }
      %lt3A_144 = arith.cmpi slt, %mul3A_116, %select_n3A : i32
      %convert_element_type3A_145 = arith.extui %lt3A_144 : i1 to i32
      %cond3A_146 = arith.constant 0 : i32
      %cond3A_147 = arith.cmpi ne, %convert_element_type3A_145, %cond3A_146 : i32
      scf.if %cond3A_147 {
        %dma_start3A = tpu.memref_slice %arg21[%mul3A_120] : memref<384xi32, #tpu.memory_space<vmem>> -> memref<48xi32, #tpu.memory_space<vmem>>
        %dma_start3A_167 = arith.constant 0 : i32
        %dma_start3A_168 = arith.constant 0 : i32
        %dma_start3A_169 = tpu.memref_slice %arg2[%dma_start3A_167, %dma_start3A_168] : memref<2048x1024xf32, #tpu.memory_space<hbm>> -> memref<2048x1024xf32, #tpu.memory_space<hbm>>
        tpu.enqueue_indirect_dma source(%dma_start3A_169 : memref<2048x1024xf32, #tpu.memory_space<hbm>>) target(%arg24 : memref<48x1024xf32, #tpu.memory_space<vmem>>) offsets(%dma_start3A : memref<48xi32, #tpu.memory_space<vmem>>) semaphore(%arg26 : memref<!tpu.dma_semaphore, #tpu.memory_space<semaphore_mem>>)
      } else {
      }
      %gt3A_148 = arith.constant 0 : i32
      %gt3A_149 = arith.cmpi sgt, %while3A_114, %gt3A_148 : i32
      %lt3A_150 = arith.cmpi slt, %add3A_118, %select_n3A : i32
      %and3A_151 = arith.andi %gt3A_149, %lt3A_150 : i1
      %convert_element_type3A_152 = arith.extui %and3A_151 : i1 to i32
      %cond3A_153 = arith.constant 0 : i32
      %cond3A_154 = arith.cmpi ne, %convert_element_type3A_152, %cond3A_153 : i32
      scf.if %cond3A_154 {
        %dma_wait3A = arith.constant 0 : i32
        %dma_wait3A_167 = tpu.memref_slice %arg8[%add3A_138, %dma_wait3A] : memref<12288x1024xf32, #tpu.memory_space<hbm>> -> memref<48x1024xf32, #tpu.memory_space<hbm>>
        %dma_wait3A_168 = arith.constant 0 : i32
        %dma_wait3A_169 = tpu.memref_slice %arg8[%add3A_138, %dma_wait3A_168] : memref<12288x1024xf32, #tpu.memory_space<hbm>> -> memref<48x1024xf32, #tpu.memory_space<hbm>>
        tpu.wait_dma2 semaphore(%arg29 : memref<!tpu.dma_semaphore, #tpu.memory_space<semaphore_mem>>) src(%arg25 : memref<48x1024xf32, #tpu.memory_space<vmem>>) dst(%dma_wait3A_169 : memref<48x1024xf32, #tpu.memory_space<hbm>>)
      } else {
      }
      %lt3A_155 = arith.cmpi slt, %add3A_118, %select_n3A : i32
      %convert_element_type3A_156 = arith.extui %lt3A_155 : i1 to i32
      %cond3A_157 = arith.constant 0 : i32
      %cond3A_158 = arith.cmpi ne, %convert_element_type3A_156, %cond3A_157 : i32
      scf.if %cond3A_158 {
        %dma_start3A = tpu.memref_slice %arg21[%mul3A_122] : memref<384xi32, #tpu.memory_space<vmem>> -> memref<48xi32, #tpu.memory_space<vmem>>
        %dma_start3A_167 = arith.constant 0 : i32
        %dma_start3A_168 = arith.constant 0 : i32
        %dma_start3A_169 = tpu.memref_slice %arg2[%dma_start3A_167, %dma_start3A_168] : memref<2048x1024xf32, #tpu.memory_space<hbm>> -> memref<2048x1024xf32, #tpu.memory_space<hbm>>
        tpu.enqueue_indirect_dma source(%dma_start3A_169 : memref<2048x1024xf32, #tpu.memory_space<hbm>>) target(%arg25 : memref<48x1024xf32, #tpu.memory_space<vmem>>) offsets(%dma_start3A : memref<48xi32, #tpu.memory_space<vmem>>) semaphore(%arg27 : memref<!tpu.dma_semaphore, #tpu.memory_space<semaphore_mem>>)
      } else {
      }
      %lt3A_159 = arith.cmpi slt, %mul3A_116, %select_n3A : i32
      %convert_element_type3A_160 = arith.extui %lt3A_159 : i1 to i32
      %cond3A_161 = arith.constant 0 : i32
      %cond3A_162 = arith.cmpi ne, %convert_element_type3A_160, %cond3A_161 : i32
      scf.if %cond3A_162 {
        %dma_wait3A = tpu.memref_slice %arg21[%mul3A_120] : memref<384xi32, #tpu.memory_space<vmem>> -> memref<48xi32, #tpu.memory_space<vmem>>
        %dma_wait3A_167 = arith.constant 0 : i32
        %dma_wait3A_168 = arith.constant 0 : i32
        %dma_wait3A_169 = tpu.memref_slice %arg2[%dma_wait3A_167, %dma_wait3A_168] : memref<2048x1024xf32, #tpu.memory_space<hbm>> -> memref<2048x1024xf32, #tpu.memory_space<hbm>>
        tpu.wait_indirect_dma semaphore(%arg26 : memref<!tpu.dma_semaphore, #tpu.memory_space<semaphore_mem>>) src(%dma_wait3A_169 : memref<2048x1024xf32, #tpu.memory_space<hbm>>) dst(%arg24 : memref<48x1024xf32, #tpu.memory_space<vmem>>)
        %dma_start3A = arith.constant 0 : i32
        %dma_start3A_170 = tpu.memref_slice %arg8[%add3A_125, %dma_start3A] : memref<12288x1024xf32, #tpu.memory_space<hbm>> -> memref<48x1024xf32, #tpu.memory_space<hbm>>
        %dma_start3A_171 = arith.constant 0 : i32
        %dma_start3A_172 = tpu.memref_slice %arg8[%add3A_125, %dma_start3A_171] : memref<12288x1024xf32, #tpu.memory_space<hbm>> -> memref<48x1024xf32, #tpu.memory_space<hbm>>
        tpu.enqueue_dma source(%arg24 : memref<48x1024xf32, #tpu.memory_space<vmem>>) target(%dma_start3A_172 : memref<48x1024xf32, #tpu.memory_space<hbm>>) target_semaphore(%arg28 : memref<!tpu.dma_semaphore, #tpu.memory_space<semaphore_mem>>)
      } else {
      }
      %lt3A_163 = arith.cmpi slt, %add3A_118, %select_n3A : i32
      %convert_element_type3A_164 = arith.extui %lt3A_163 : i1 to i32
      %cond3A_165 = arith.constant 0 : i32
      %cond3A_166 = arith.cmpi ne, %convert_element_type3A_164, %cond3A_165 : i32
      scf.if %cond3A_166 {
        %dma_wait3A = tpu.memref_slice %arg21[%mul3A_122] : memref<384xi32, #tpu.memory_space<vmem>> -> memref<48xi32, #tpu.memory_space<vmem>>
        %dma_wait3A_167 = arith.constant 0 : i32
        %dma_wait3A_168 = arith.constant 0 : i32
        %dma_wait3A_169 = tpu.memref_slice %arg2[%dma_wait3A_167, %dma_wait3A_168] : memref<2048x1024xf32, #tpu.memory_space<hbm>> -> memref<2048x1024xf32, #tpu.memory_space<hbm>>
        tpu.wait_indirect_dma semaphore(%arg27 : memref<!tpu.dma_semaphore, #tpu.memory_space<semaphore_mem>>) src(%dma_wait3A_169 : memref<2048x1024xf32, #tpu.memory_space<hbm>>) dst(%arg25 : memref<48x1024xf32, #tpu.memory_space<vmem>>)
        %dma_start3A = arith.constant 0 : i32
        %dma_start3A_170 = tpu.memref_slice %arg8[%add3A_128, %dma_start3A] : memref<12288x1024xf32, #tpu.memory_space<hbm>> -> memref<48x1024xf32, #tpu.memory_space<hbm>>
        %dma_start3A_171 = arith.constant 0 : i32
        %dma_start3A_172 = tpu.memref_slice %arg8[%add3A_128, %dma_start3A_171] : memref<12288x1024xf32, #tpu.memory_space<hbm>> -> memref<48x1024xf32, #tpu.memory_space<hbm>>
        tpu.enqueue_dma source(%arg25 : memref<48x1024xf32, #tpu.memory_space<vmem>>) target(%dma_start3A_172 : memref<48x1024xf32, #tpu.memory_space<hbm>>) target_semaphore(%arg29 : memref<!tpu.dma_semaphore, #tpu.memory_space<semaphore_mem>>)
      } else {
      }
    }
    %while3A_104 = arith.constant 1 : i32
    scf.for %while3A_114 = %while3A_102 to %while3A_98 step %while3A_104  : i32 {
      %mul3A_115 = arith.constant 2 : i32
      %mul3A_116 = arith.muli %mul3A_115, %while3A_114 : i32
      %add3A_117 = arith.constant 1 : i32
      %add3A_118 = arith.addi %mul3A_116, %add3A_117 : i32
      %mul3A_119 = arith.constant 48 : i32
      %mul3A_120 = arith.muli %mul3A_116, %mul3A_119 : i32
      %mul3A_121 = arith.constant 48 : i32
      %mul3A_122 = arith.muli %add3A_118, %mul3A_121 : i32
      %mul3A_123 = arith.constant 48 : i32
      %mul3A_124 = arith.muli %mul3A_116, %mul3A_123 : i32
      %add3A_125 = arith.addi %mul3A_4, %mul3A_124 : i32
      %mul3A_126 = arith.constant 48 : i32
      %mul3A_127 = arith.muli %add3A_118, %mul3A_126 : i32
      %add3A_128 = arith.addi %mul3A_4, %mul3A_127 : i32
      %sub3A_129 = arith.constant 2 : i32
      %sub3A_130 = arith.subi %mul3A_116, %sub3A_129 : i32
      %mul3A_131 = arith.constant 48 : i32
      %mul3A_132 = arith.muli %sub3A_130, %mul3A_131 : i32
      %add3A_133 = arith.addi %mul3A_4, %mul3A_132 : i32
      %sub3A_134 = arith.constant 2 : i32
      %sub3A_135 = arith.subi %add3A_118, %sub3A_134 : i32
      %mul3A_136 = arith.constant 48 : i32
      %mul3A_137 = arith.muli %sub3A_135, %mul3A_136 : i32
      %add3A_138 = arith.addi %mul3A_4, %mul3A_137 : i32
      %gt3A = arith.constant 0 : i32
      %gt3A_139 = arith.cmpi sgt, %while3A_114, %gt3A : i32
      %lt3A = arith.cmpi slt, %mul3A_116, %select_n3A : i32
      %and3A_140 = arith.andi %gt3A_139, %lt3A : i1
      %convert_element_type3A_141 = arith.extui %and3A_140 : i1 to i32
      %cond3A_142 = arith.constant 0 : i32
      %cond3A_143 = arith.cmpi ne, %convert_element_type3A_141, %cond3A_142 : i32
      scf.if %cond3A_143 {
        %dma_wait3A = arith.constant 0 : i32
        %dma_wait3A_167 = tpu.memref_slice %arg8[%add3A_133, %dma_wait3A] : memref<12288x1024xf32, #tpu.memory_space<hbm>> -> memref<48x1024xf32, #tpu.memory_space<hbm>>
        %dma_wait3A_168 = arith.constant 0 : i32
        %dma_wait3A_169 = tpu.memref_slice %arg8[%add3A_133, %dma_wait3A_168] : memref<12288x1024xf32, #tpu.memory_space<hbm>> -> memref<48x1024xf32, #tpu.memory_space<hbm>>
        tpu.wait_dma2 semaphore(%arg28 : memref<!tpu.dma_semaphore, #tpu.memory_space<semaphore_mem>>) src(%arg24 : memref<48x1024xf32, #tpu.memory_space<vmem>>) dst(%dma_wait3A_169 : memref<48x1024xf32, #tpu.memory_space<hbm>>)
      } else {
      }
      %lt3A_144 = arith.cmpi slt, %mul3A_116, %select_n3A : i32
      %convert_element_type3A_145 = arith.extui %lt3A_144 : i1 to i32
      %cond3A_146 = arith.constant 0 : i32
      %cond3A_147 = arith.cmpi ne, %convert_element_type3A_145, %cond3A_146 : i32
      scf.if %cond3A_147 {
        %dma_start3A = tpu.memref_slice %arg21[%mul3A_120] : memref<384xi32, #tpu.memory_space<vmem>> -> memref<48xi32, #tpu.memory_space<vmem>>
        %dma_start3A_167 = arith.constant 0 : i32
        %dma_start3A_168 = arith.constant 0 : i32
        %dma_start3A_169 = tpu.memref_slice %arg2[%dma_start3A_167, %dma_start3A_168] : memref<2048x1024xf32, #tpu.memory_space<hbm>> -> memref<2048x1024xf32, #tpu.memory_space<hbm>>
        tpu.enqueue_indirect_dma source(%dma_start3A_169 : memref<2048x1024xf32, #tpu.memory_space<hbm>>) target(%arg24 : memref<48x1024xf32, #tpu.memory_space<vmem>>) offsets(%dma_start3A : memref<48xi32, #tpu.memory_space<vmem>>) semaphore(%arg26 : memref<!tpu.dma_semaphore, #tpu.memory_space<semaphore_mem>>)
      } else {
      }
      %gt3A_148 = arith.constant 0 : i32
      %gt3A_149 = arith.cmpi sgt, %while3A_114, %gt3A_148 : i32
      %lt3A_150 = arith.cmpi slt, %add3A_118, %select_n3A : i32
      %and3A_151 = arith.andi %gt3A_149, %lt3A_150 : i1
      %convert_element_type3A_152 = arith.extui %and3A_151 : i1 to i32
      %cond3A_153 = arith.constant 0 : i32
      %cond3A_154 = arith.cmpi ne, %convert_element_type3A_152, %cond3A_153 : i32
      scf.if %cond3A_154 {
        %dma_wait3A = arith.constant 0 : i32
        %dma_wait3A_167 = tpu.memref_slice %arg8[%add3A_138, %dma_wait3A] : memref<12288x1024xf32, #tpu.memory_space<hbm>> -> memref<48x1024xf32, #tpu.memory_space<hbm>>
        %dma_wait3A_168 = arith.constant 0 : i32
        %dma_wait3A_169 = tpu.memref_slice %arg8[%add3A_138, %dma_wait3A_168] : memref<12288x1024xf32, #tpu.memory_space<hbm>> -> memref<48x1024xf32, #tpu.memory_space<hbm>>
        tpu.wait_dma2 semaphore(%arg29 : memref<!tpu.dma_semaphore, #tpu.memory_space<semaphore_mem>>) src(%arg25 : memref<48x1024xf32, #tpu.memory_space<vmem>>) dst(%dma_wait3A_169 : memref<48x1024xf32, #tpu.memory_space<hbm>>)
      } else {
      }
      %lt3A_155 = arith.cmpi slt, %add3A_118, %select_n3A : i32
      %convert_element_type3A_156 = arith.extui %lt3A_155 : i1 to i32
      %cond3A_157 = arith.constant 0 : i32
      %cond3A_158 = arith.cmpi ne, %convert_element_type3A_156, %cond3A_157 : i32
      scf.if %cond3A_158 {
        %dma_start3A = tpu.memref_slice %arg21[%mul3A_122] : memref<384xi32, #tpu.memory_space<vmem>> -> memref<48xi32, #tpu.memory_space<vmem>>
        %dma_start3A_167 = arith.constant 0 : i32
        %dma_start3A_168 = arith.constant 0 : i32
        %dma_start3A_169 = tpu.memref_slice %arg2[%dma_start3A_167, %dma_start3A_168] : memref<2048x1024xf32, #tpu.memory_space<hbm>> -> memref<2048x1024xf32, #tpu.memory_space<hbm>>
        tpu.enqueue_indirect_dma source(%dma_start3A_169 : memref<2048x1024xf32, #tpu.memory_space<hbm>>) target(%arg25 : memref<48x1024xf32, #tpu.memory_space<vmem>>) offsets(%dma_start3A : memref<48xi32, #tpu.memory_space<vmem>>) semaphore(%arg27 : memref<!tpu.dma_semaphore, #tpu.memory_space<semaphore_mem>>)
      } else {
      }
      %lt3A_159 = arith.cmpi slt, %mul3A_116, %select_n3A : i32
      %convert_element_type3A_160 = arith.extui %lt3A_159 : i1 to i32
      %cond3A_161 = arith.constant 0 : i32
      %cond3A_162 = arith.cmpi ne, %convert_element_type3A_160, %cond3A_161 : i32
      scf.if %cond3A_162 {
        %dma_wait3A = tpu.memref_slice %arg21[%mul3A_120] : memref<384xi32, #tpu.memory_space<vmem>> -> memref<48xi32, #tpu.memory_space<vmem>>
        %dma_wait3A_167 = arith.constant 0 : i32
        %dma_wait3A_168 = arith.constant 0 : i32
        %dma_wait3A_169 = tpu.memref_slice %arg2[%dma_wait3A_167, %dma_wait3A_168] : memref<2048x1024xf32, #tpu.memory_space<hbm>> -> memref<2048x1024xf32, #tpu.memory_space<hbm>>
        tpu.wait_indirect_dma semaphore(%arg26 : memref<!tpu.dma_semaphore, #tpu.memory_space<semaphore_mem>>) src(%dma_wait3A_169 : memref<2048x1024xf32, #tpu.memory_space<hbm>>) dst(%arg24 : memref<48x1024xf32, #tpu.memory_space<vmem>>)
        %dma_start3A = arith.constant 0 : i32
        %dma_start3A_170 = tpu.memref_slice %arg8[%add3A_125, %dma_start3A] : memref<12288x1024xf32, #tpu.memory_space<hbm>> -> memref<48x1024xf32, #tpu.memory_space<hbm>>
        %dma_start3A_171 = arith.constant 0 : i32
        %dma_start3A_172 = tpu.memref_slice %arg8[%add3A_125, %dma_start3A_171] : memref<12288x1024xf32, #tpu.memory_space<hbm>> -> memref<48x1024xf32, #tpu.memory_space<hbm>>
        tpu.enqueue_dma source(%arg24 : memref<48x1024xf32, #tpu.memory_space<vmem>>) target(%dma_start3A_172 : memref<48x1024xf32, #tpu.memory_space<hbm>>) target_semaphore(%arg28 : memref<!tpu.dma_semaphore, #tpu.memory_space<semaphore_mem>>)
      } else {
      }
      %lt3A_163 = arith.cmpi slt, %add3A_118, %select_n3A : i32
      %convert_element_type3A_164 = arith.extui %lt3A_163 : i1 to i32
      %cond3A_165 = arith.constant 0 : i32
      %cond3A_166 = arith.cmpi ne, %convert_element_type3A_164, %cond3A_165 : i32
      scf.if %cond3A_166 {
        %dma_wait3A = tpu.memref_slice %arg21[%mul3A_122] : memref<384xi32, #tpu.memory_space<vmem>> -> memref<48xi32, #tpu.memory_space<vmem>>
        %dma_wait3A_167 = arith.constant 0 : i32
        %dma_wait3A_168 = arith.constant 0 : i32
        %dma_wait3A_169 = tpu.memref_slice %arg2[%dma_wait3A_167, %dma_wait3A_168] : memref<2048x1024xf32, #tpu.memory_space<hbm>> -> memref<2048x1024xf32, #tpu.memory_space<hbm>>
        tpu.wait_indirect_dma semaphore(%arg27 : memref<!tpu.dma_semaphore, #tpu.memory_space<semaphore_mem>>) src(%dma_wait3A_169 : memref<2048x1024xf32, #tpu.memory_space<hbm>>) dst(%arg25 : memref<48x1024xf32, #tpu.memory_space<vmem>>)
        %dma_start3A = arith.constant 0 : i32
        %dma_start3A_170 = tpu.memref_slice %arg8[%add3A_128, %dma_start3A] : memref<12288x1024xf32, #tpu.memory_space<hbm>> -> memref<48x1024xf32, #tpu.memory_space<hbm>>
        %dma_start3A_171 = arith.constant 0 : i32
        %dma_start3A_172 = tpu.memref_slice %arg8[%add3A_128, %dma_start3A_171] : memref<12288x1024xf32, #tpu.memory_space<hbm>> -> memref<48x1024xf32, #tpu.memory_space<hbm>>
        tpu.enqueue_dma source(%arg25 : memref<48x1024xf32, #tpu.memory_space<vmem>>) target(%dma_start3A_172 : memref<48x1024xf32, #tpu.memory_space<hbm>>) target_semaphore(%arg29 : memref<!tpu.dma_semaphore, #tpu.memory_space<semaphore_mem>>)
      } else {
      }
    }
    %ge3A = arith.constant 1 : i32
    %ge3A_105 = arith.cmpi sge, %select_n3A, %ge3A : i32
    %convert_element_type3A_106 = arith.extui %ge3A_105 : i1 to i32
    %cond3A_107 = arith.constant 0 : i32
    %cond3A_108 = arith.cmpi ne, %convert_element_type3A_106, %cond3A_107 : i32
    scf.if %cond3A_108 {
      %sub3A_114 = arith.constant 1 : i32
      %sub3A_115 = arith.subi %select_n3A, %sub3A_114 : i32
      %mul3A_116 = arith.constant 48 : i32
      %mul3A_117 = arith.muli %sub3A_115, %mul3A_116 : i32
      %add3A_118 = arith.addi %mul3A_4, %mul3A_117 : i32
      %dma_wait3A = arith.constant 0 : i32
      %dma_wait3A_119 = tpu.memref_slice %arg8[%add3A_118, %dma_wait3A] : memref<12288x1024xf32, #tpu.memory_space<hbm>> -> memref<48x1024xf32, #tpu.memory_space<hbm>>
      %dma_wait3A_120 = arith.constant 0 : i32
      %dma_wait3A_121 = tpu.memref_slice %arg8[%add3A_118, %dma_wait3A_120] : memref<12288x1024xf32, #tpu.memory_space<hbm>> -> memref<48x1024xf32, #tpu.memory_space<hbm>>
      tpu.wait_dma2 semaphore(%arg28 : memref<!tpu.dma_semaphore, #tpu.memory_space<semaphore_mem>>) src(%arg24 : memref<48x1024xf32, #tpu.memory_space<vmem>>) dst(%dma_wait3A_121 : memref<48x1024xf32, #tpu.memory_space<hbm>>)
    } else {
    }
    %ge3A_109 = arith.constant 2 : i32
    %ge3A_110 = arith.cmpi sge, %select_n3A, %ge3A_109 : i32
    %convert_element_type3A_111 = arith.extui %ge3A_110 : i1 to i32
    %cond3A_112 = arith.constant 0 : i32
    %cond3A_113 = arith.cmpi ne, %convert_element_type3A_111, %cond3A_112 : i32
    scf.if %cond3A_113 {
      %sub3A_114 = arith.constant 2 : i32
      %sub3A_115 = arith.subi %select_n3A, %sub3A_114 : i32
      %mul3A_116 = arith.constant 48 : i32
      %mul3A_117 = arith.muli %sub3A_115, %mul3A_116 : i32
      %add3A_118 = arith.addi %mul3A_4, %mul3A_117 : i32
      %dma_wait3A = arith.constant 0 : i32
      %dma_wait3A_119 = tpu.memref_slice %arg8[%add3A_118, %dma_wait3A] : memref<12288x1024xf32, #tpu.memory_space<hbm>> -> memref<48x1024xf32, #tpu.memory_space<hbm>>
      %dma_wait3A_120 = arith.constant 0 : i32
      %dma_wait3A_121 = tpu.memref_slice %arg8[%add3A_118, %dma_wait3A_120] : memref<12288x1024xf32, #tpu.memory_space<hbm>> -> memref<48x1024xf32, #tpu.memory_space<hbm>>
      tpu.wait_dma2 semaphore(%arg29 : memref<!tpu.dma_semaphore, #tpu.memory_space<semaphore_mem>>) src(%arg25 : memref<48x1024xf32, #tpu.memory_space<vmem>>) dst(%dma_wait3A_121 : memref<48x1024xf32, #tpu.memory_space<hbm>>)
    } else {
    }
    return
  }
}

#map = affine_map<(d0, d1) -> (0, 0)>
#map1 = affine_map<(d0, d1) -> (0)>
module attributes {stable_mosaic.version = 14 : i64} {
  func.func @k(%arg0: i32, %arg1: i32, %arg2: memref<12288x1024xf32, #tpu.memory_space<hbm>>, %arg3: memref<2048xi32, #tpu.memory_space<hbm>>, %arg4: memref<2048xi32, #tpu.memory_space<hbm>>, %arg5: memref<2048xf32, #tpu.memory_space<hbm>>, %arg6: memref<2048xf32, #tpu.memory_space<hbm>>, %arg7: memref<2048x1024xf32, #tpu.memory_space<hbm>>, %arg8: memref<64xi32, #tpu.memory_space<vmem>>, %arg9: memref<64xi32, #tpu.memory_space<vmem>>, %arg10: memref<64xf32, #tpu.memory_space<vmem>>, %arg11: memref<64xf32, #tpu.memory_space<vmem>>, %arg12: memref<32x1024xf32, #tpu.memory_space<vmem>>, %arg13: memref<32x1024xf32, #tpu.memory_space<vmem>>, %arg14: memref<!tpu.dma_semaphore, #tpu.memory_space<semaphore_mem>>) attributes {dimension_semantics = [#tpu.dimension_semantics<core_parallel>, #tpu.dimension_semantics<subcore_parallel>], iteration_bounds = array<i64: 2, 16>, scalar_prefetch = 0 : i64, scratch_operands = 7 : i64, tpu.core_type = #tpu.core_type<sc_vector_subcore>, window_params = [{transform_indices = #map}, {transform_indices = #map1}, {transform_indices = #map1}, {transform_indices = #map1}, {transform_indices = #map1}, {transform_indices = #map}]} {
    %mul3A = arith.constant 2 : i32
    %mul3A_0 = arith.muli %arg1, %mul3A : i32
    %add3A = arith.addi %mul3A_0, %arg0 : i32
    %mul3A_1 = arith.constant 64 : i32
    %mul3A_2 = arith.muli %add3A, %mul3A_1 : i32
    "tpu.region"() ({
      %run_scoped3A = tpu.sem_alloc : memref<!tpu.dma_semaphore, #tpu.memory_space<semaphore_mem>>
      %dma_start3A = tpu.memref_slice %arg3[%mul3A_2] : memref<2048xi32, #tpu.memory_space<hbm>> -> memref<64xi32, #tpu.memory_space<hbm>>
      %dma_start3A_8 = tpu.memref_slice %arg3[%mul3A_2] : memref<2048xi32, #tpu.memory_space<hbm>> -> memref<64xi32, #tpu.memory_space<hbm>>
      tpu.enqueue_dma source(%dma_start3A_8 : memref<64xi32, #tpu.memory_space<hbm>>) target(%arg8 : memref<64xi32, #tpu.memory_space<vmem>>) target_semaphore(%run_scoped3A : memref<!tpu.dma_semaphore, #tpu.memory_space<semaphore_mem>>)
      %dma_wait3A = tpu.memref_slice %arg3[%mul3A_2] : memref<2048xi32, #tpu.memory_space<hbm>> -> memref<64xi32, #tpu.memory_space<hbm>>
      %dma_wait3A_9 = tpu.memref_slice %arg3[%mul3A_2] : memref<2048xi32, #tpu.memory_space<hbm>> -> memref<64xi32, #tpu.memory_space<hbm>>
      tpu.wait_dma2 semaphore(%run_scoped3A : memref<!tpu.dma_semaphore, #tpu.memory_space<semaphore_mem>>) src(%dma_wait3A_9 : memref<64xi32, #tpu.memory_space<hbm>>) dst(%arg8 : memref<64xi32, #tpu.memory_space<vmem>>)
      tpu.yield
    }) : () -> ()
    "tpu.region"() ({
      %run_scoped3A = tpu.sem_alloc : memref<!tpu.dma_semaphore, #tpu.memory_space<semaphore_mem>>
      %dma_start3A = tpu.memref_slice %arg4[%mul3A_2] : memref<2048xi32, #tpu.memory_space<hbm>> -> memref<64xi32, #tpu.memory_space<hbm>>
      %dma_start3A_8 = tpu.memref_slice %arg4[%mul3A_2] : memref<2048xi32, #tpu.memory_space<hbm>> -> memref<64xi32, #tpu.memory_space<hbm>>
      tpu.enqueue_dma source(%dma_start3A_8 : memref<64xi32, #tpu.memory_space<hbm>>) target(%arg9 : memref<64xi32, #tpu.memory_space<vmem>>) target_semaphore(%run_scoped3A : memref<!tpu.dma_semaphore, #tpu.memory_space<semaphore_mem>>)
      %dma_wait3A = tpu.memref_slice %arg4[%mul3A_2] : memref<2048xi32, #tpu.memory_space<hbm>> -> memref<64xi32, #tpu.memory_space<hbm>>
      %dma_wait3A_9 = tpu.memref_slice %arg4[%mul3A_2] : memref<2048xi32, #tpu.memory_space<hbm>> -> memref<64xi32, #tpu.memory_space<hbm>>
      tpu.wait_dma2 semaphore(%run_scoped3A : memref<!tpu.dma_semaphore, #tpu.memory_space<semaphore_mem>>) src(%dma_wait3A_9 : memref<64xi32, #tpu.memory_space<hbm>>) dst(%arg9 : memref<64xi32, #tpu.memory_space<vmem>>)
      tpu.yield
    }) : () -> ()
    "tpu.region"() ({
      %run_scoped3A = tpu.sem_alloc : memref<!tpu.dma_semaphore, #tpu.memory_space<semaphore_mem>>
      %dma_start3A = tpu.memref_slice %arg5[%mul3A_2] : memref<2048xf32, #tpu.memory_space<hbm>> -> memref<64xf32, #tpu.memory_space<hbm>>
      %dma_start3A_8 = tpu.memref_slice %arg5[%mul3A_2] : memref<2048xf32, #tpu.memory_space<hbm>> -> memref<64xf32, #tpu.memory_space<hbm>>
      tpu.enqueue_dma source(%dma_start3A_8 : memref<64xf32, #tpu.memory_space<hbm>>) target(%arg10 : memref<64xf32, #tpu.memory_space<vmem>>) target_semaphore(%run_scoped3A : memref<!tpu.dma_semaphore, #tpu.memory_space<semaphore_mem>>)
      %dma_wait3A = tpu.memref_slice %arg5[%mul3A_2] : memref<2048xf32, #tpu.memory_space<hbm>> -> memref<64xf32, #tpu.memory_space<hbm>>
      %dma_wait3A_9 = tpu.memref_slice %arg5[%mul3A_2] : memref<2048xf32, #tpu.memory_space<hbm>> -> memref<64xf32, #tpu.memory_space<hbm>>
      tpu.wait_dma2 semaphore(%run_scoped3A : memref<!tpu.dma_semaphore, #tpu.memory_space<semaphore_mem>>) src(%dma_wait3A_9 : memref<64xf32, #tpu.memory_space<hbm>>) dst(%arg10 : memref<64xf32, #tpu.memory_space<vmem>>)
      tpu.yield
    }) : () -> ()
    "tpu.region"() ({
      %run_scoped3A = tpu.sem_alloc : memref<!tpu.dma_semaphore, #tpu.memory_space<semaphore_mem>>
      %dma_start3A = tpu.memref_slice %arg6[%mul3A_2] : memref<2048xf32, #tpu.memory_space<hbm>> -> memref<64xf32, #tpu.memory_space<hbm>>
      %dma_start3A_8 = tpu.memref_slice %arg6[%mul3A_2] : memref<2048xf32, #tpu.memory_space<hbm>> -> memref<64xf32, #tpu.memory_space<hbm>>
      tpu.enqueue_dma source(%dma_start3A_8 : memref<64xf32, #tpu.memory_space<hbm>>) target(%arg11 : memref<64xf32, #tpu.memory_space<vmem>>) target_semaphore(%run_scoped3A : memref<!tpu.dma_semaphore, #tpu.memory_space<semaphore_mem>>)
      %dma_wait3A = tpu.memref_slice %arg6[%mul3A_2] : memref<2048xf32, #tpu.memory_space<hbm>> -> memref<64xf32, #tpu.memory_space<hbm>>
      %dma_wait3A_9 = tpu.memref_slice %arg6[%mul3A_2] : memref<2048xf32, #tpu.memory_space<hbm>> -> memref<64xf32, #tpu.memory_space<hbm>>
      tpu.wait_dma2 semaphore(%run_scoped3A : memref<!tpu.dma_semaphore, #tpu.memory_space<semaphore_mem>>) src(%dma_wait3A_9 : memref<64xf32, #tpu.memory_space<hbm>>) dst(%arg11 : memref<64xf32, #tpu.memory_space<vmem>>)
      tpu.yield
    }) : () -> ()
    %scan3A = arith.constant 0 : i32
    %scan3A_3 = arith.constant 0 : i32
    %scan3A_4 = arith.constant 2 : i32
    %scan3A_5 = arith.addi %scan3A_3, %scan3A_4 : i32
    %scan3A_6 = arith.constant 1 : i32
    scf.for %scan3A_8 = %scan3A_3 to %scan3A_5 step %scan3A_6  : i32 {
      %mul3A_9 = arith.constant 32 : i32
      %mul3A_10 = arith.muli %scan3A_8, %mul3A_9 : i32
      %dma_start3A = tpu.memref_slice %arg8[%mul3A_10] : memref<64xi32, #tpu.memory_space<vmem>> -> memref<32xi32, #tpu.memory_space<vmem>>
      %dma_start3A_11 = arith.constant 0 : i32
      %dma_start3A_12 = arith.constant 0 : i32
      %dma_start3A_13 = tpu.memref_slice %arg2[%dma_start3A_11, %dma_start3A_12] : memref<12288x1024xf32, #tpu.memory_space<hbm>> -> memref<12288x1024xf32, #tpu.memory_space<hbm>>
      tpu.enqueue_indirect_dma source(%dma_start3A_13 : memref<12288x1024xf32, #tpu.memory_space<hbm>>) target(%arg12 : memref<32x1024xf32, #tpu.memory_space<vmem>>) offsets(%dma_start3A : memref<32xi32, #tpu.memory_space<vmem>>) semaphore(%arg14 : memref<!tpu.dma_semaphore, #tpu.memory_space<semaphore_mem>>)
      %dma_wait3A = tpu.memref_slice %arg8[%mul3A_10] : memref<64xi32, #tpu.memory_space<vmem>> -> memref<32xi32, #tpu.memory_space<vmem>>
      %dma_wait3A_14 = arith.constant 0 : i32
      %dma_wait3A_15 = arith.constant 0 : i32
      %dma_wait3A_16 = tpu.memref_slice %arg2[%dma_wait3A_14, %dma_wait3A_15] : memref<12288x1024xf32, #tpu.memory_space<hbm>> -> memref<12288x1024xf32, #tpu.memory_space<hbm>>
      tpu.wait_indirect_dma semaphore(%arg14 : memref<!tpu.dma_semaphore, #tpu.memory_space<semaphore_mem>>) src(%dma_wait3A_16 : memref<12288x1024xf32, #tpu.memory_space<hbm>>) dst(%arg12 : memref<32x1024xf32, #tpu.memory_space<vmem>>)
      %mul3A_17 = arith.constant 32 : i32
      %mul3A_18 = arith.muli %scan3A_8, %mul3A_17 : i32
      %dma_start3A_19 = tpu.memref_slice %arg9[%mul3A_18] : memref<64xi32, #tpu.memory_space<vmem>> -> memref<32xi32, #tpu.memory_space<vmem>>
      %dma_start3A_20 = arith.constant 0 : i32
      %dma_start3A_21 = arith.constant 0 : i32
      %dma_start3A_22 = tpu.memref_slice %arg2[%dma_start3A_20, %dma_start3A_21] : memref<12288x1024xf32, #tpu.memory_space<hbm>> -> memref<12288x1024xf32, #tpu.memory_space<hbm>>
      tpu.enqueue_indirect_dma source(%dma_start3A_22 : memref<12288x1024xf32, #tpu.memory_space<hbm>>) target(%arg13 : memref<32x1024xf32, #tpu.memory_space<vmem>>) offsets(%dma_start3A_19 : memref<32xi32, #tpu.memory_space<vmem>>) semaphore(%arg14 : memref<!tpu.dma_semaphore, #tpu.memory_space<semaphore_mem>>)
      %dma_wait3A_23 = tpu.memref_slice %arg9[%mul3A_18] : memref<64xi32, #tpu.memory_space<vmem>> -> memref<32xi32, #tpu.memory_space<vmem>>
      %dma_wait3A_24 = arith.constant 0 : i32
      %dma_wait3A_25 = arith.constant 0 : i32
      %dma_wait3A_26 = tpu.memref_slice %arg2[%dma_wait3A_24, %dma_wait3A_25] : memref<12288x1024xf32, #tpu.memory_space<hbm>> -> memref<12288x1024xf32, #tpu.memory_space<hbm>>
      tpu.wait_indirect_dma semaphore(%arg14 : memref<!tpu.dma_semaphore, #tpu.memory_space<semaphore_mem>>) src(%dma_wait3A_26 : memref<12288x1024xf32, #tpu.memory_space<hbm>>) dst(%arg13 : memref<32x1024xf32, #tpu.memory_space<vmem>>)
      %scan3A_27 = arith.constant 0 : i32
      %scan3A_28 = arith.constant 0 : i32
      %scan3A_29 = arith.constant 32 : i32
      %scan3A_30 = arith.addi %scan3A_28, %scan3A_29 : i32
      %scan3A_31 = arith.constant 1 : i32
      scf.for %scan3A_36 = %scan3A_28 to %scan3A_30 step %scan3A_31  : i32 {
        %mul3A_37 = arith.constant 32 : i32
        %mul3A_38 = arith.muli %scan3A_8, %mul3A_37 : i32
        %add3A_39 = arith.addi %mul3A_38, %scan3A_36 : i32
        %broadcast_in_dim3A = vector.broadcast %add3A_39 : i32 to vector<16xi32>
        %gather3A = tpu.vector_load_idx %arg10[%broadcast_in_dim3A] : memref<64xf32, #tpu.memory_space<vmem>>[vector<16xi32>], vector<16xf32>,
        %gather3A_40 = tpu.vector_load_idx %arg11[%broadcast_in_dim3A] : memref<64xf32, #tpu.memory_space<vmem>>[vector<16xi32>], vector<16xf32>,
        %scan3A_41 = arith.constant 0 : i32
        %scan3A_42 = arith.constant 0 : i32
        %scan3A_43 = arith.constant 64 : i32
        %scan3A_44 = arith.addi %scan3A_42, %scan3A_43 : i32
        %scan3A_45 = arith.constant 4 : i32
        scf.for %scan3A_47 = %scan3A_42 to %scan3A_44 step %scan3A_45  : i32 {
          %mul3A_48 = arith.constant 16 : i32
          %mul3A_49 = arith.muli %scan3A_47, %mul3A_48 : i32
          %get3A = arith.index_cast %scan3A_36 : i32 to index
          %get3A_50 = arith.index_cast %mul3A_49 : i32 to index
          %get3A_51 = tpu.vector_load %arg12[%get3A, %get3A_50] {strides = array<i32>} : memref<32x1024xf32, #tpu.memory_space<vmem>>, vector<16xf32>,
          %mul3A_52 = arith.mulf %gather3A, %get3A_51 : vector<16xf32>
          %get3A_53 = arith.index_cast %scan3A_36 : i32 to index
          %get3A_54 = arith.index_cast %mul3A_49 : i32 to index
          %get3A_55 = tpu.vector_load %arg13[%get3A_53, %get3A_54] {strides = array<i32>} : memref<32x1024xf32, #tpu.memory_space<vmem>>, vector<16xf32>,
          %mul3A_56 = arith.mulf %gather3A_40, %get3A_55 : vector<16xf32>
          %add3A_57 = arith.addf %mul3A_52, %mul3A_56 : vector<16xf32>
          %swap3A = arith.index_cast %scan3A_36 : i32 to index
          %swap3A_58 = arith.index_cast %mul3A_49 : i32 to index
          %swap3A_59 = tpu.vector_load %arg12[%swap3A, %swap3A_58] {strides = array<i32>} : memref<32x1024xf32, #tpu.memory_space<vmem>>, vector<16xf32>,
          tpu.vector_store %arg12[%swap3A, %swap3A_58], %add3A_57 {strides = array<i32>} : memref<32x1024xf32, #tpu.memory_space<vmem>>, vector<16xf32>,
          %scan3A_60 = arith.constant 1 : i32
          %scan3A_61 = arith.addi %scan3A_47, %scan3A_60 : i32
          %mul3A_62 = arith.constant 16 : i32
          %mul3A_63 = arith.muli %scan3A_61, %mul3A_62 : i32
          %get3A_64 = arith.index_cast %scan3A_36 : i32 to index
          %get3A_65 = arith.index_cast %mul3A_63 : i32 to index
          %get3A_66 = tpu.vector_load %arg12[%get3A_64, %get3A_65] {strides = array<i32>} : memref<32x1024xf32, #tpu.memory_space<vmem>>, vector<16xf32>,
          %mul3A_67 = arith.mulf %gather3A, %get3A_66 : vector<16xf32>
          %get3A_68 = arith.index_cast %scan3A_36 : i32 to index
          %get3A_69 = arith.index_cast %mul3A_63 : i32 to index
          %get3A_70 = tpu.vector_load %arg13[%get3A_68, %get3A_69] {strides = array<i32>} : memref<32x1024xf32, #tpu.memory_space<vmem>>, vector<16xf32>,
          %mul3A_71 = arith.mulf %gather3A_40, %get3A_70 : vector<16xf32>
          %add3A_72 = arith.addf %mul3A_67, %mul3A_71 : vector<16xf32>
          %swap3A_73 = arith.index_cast %scan3A_36 : i32 to index
          %swap3A_74 = arith.index_cast %mul3A_63 : i32 to index
          %swap3A_75 = tpu.vector_load %arg12[%swap3A_73, %swap3A_74] {strides = array<i32>} : memref<32x1024xf32, #tpu.memory_space<vmem>>, vector<16xf32>,
          tpu.vector_store %arg12[%swap3A_73, %swap3A_74], %add3A_72 {strides = array<i32>} : memref<32x1024xf32, #tpu.memory_space<vmem>>, vector<16xf32>,
          %scan3A_76 = arith.constant 2 : i32
          %scan3A_77 = arith.addi %scan3A_47, %scan3A_76 : i32
          %mul3A_78 = arith.constant 16 : i32
          %mul3A_79 = arith.muli %scan3A_77, %mul3A_78 : i32
          %get3A_80 = arith.index_cast %scan3A_36 : i32 to index
          %get3A_81 = arith.index_cast %mul3A_79 : i32 to index
          %get3A_82 = tpu.vector_load %arg12[%get3A_80, %get3A_81] {strides = array<i32>} : memref<32x1024xf32, #tpu.memory_space<vmem>>, vector<16xf32>,
          %mul3A_83 = arith.mulf %gather3A, %get3A_82 : vector<16xf32>
          %get3A_84 = arith.index_cast %scan3A_36 : i32 to index
          %get3A_85 = arith.index_cast %mul3A_79 : i32 to index
          %get3A_86 = tpu.vector_load %arg13[%get3A_84, %get3A_85] {strides = array<i32>} : memref<32x1024xf32, #tpu.memory_space<vmem>>, vector<16xf32>,
          %mul3A_87 = arith.mulf %gather3A_40, %get3A_86 : vector<16xf32>
          %add3A_88 = arith.addf %mul3A_83, %mul3A_87 : vector<16xf32>
          %swap3A_89 = arith.index_cast %scan3A_36 : i32 to index
          %swap3A_90 = arith.index_cast %mul3A_79 : i32 to index
          %swap3A_91 = tpu.vector_load %arg12[%swap3A_89, %swap3A_90] {strides = array<i32>} : memref<32x1024xf32, #tpu.memory_space<vmem>>, vector<16xf32>,
          tpu.vector_store %arg12[%swap3A_89, %swap3A_90], %add3A_88 {strides = array<i32>} : memref<32x1024xf32, #tpu.memory_space<vmem>>, vector<16xf32>,
          %scan3A_92 = arith.constant 3 : i32
          %scan3A_93 = arith.addi %scan3A_47, %scan3A_92 : i32
          %mul3A_94 = arith.constant 16 : i32
          %mul3A_95 = arith.muli %scan3A_93, %mul3A_94 : i32
          %get3A_96 = arith.index_cast %scan3A_36 : i32 to index
          %get3A_97 = arith.index_cast %mul3A_95 : i32 to index
          %get3A_98 = tpu.vector_load %arg12[%get3A_96, %get3A_97] {strides = array<i32>} : memref<32x1024xf32, #tpu.memory_space<vmem>>, vector<16xf32>,
          %mul3A_99 = arith.mulf %gather3A, %get3A_98 : vector<16xf32>
          %get3A_100 = arith.index_cast %scan3A_36 : i32 to index
          %get3A_101 = arith.index_cast %mul3A_95 : i32 to index
          %get3A_102 = tpu.vector_load %arg13[%get3A_100, %get3A_101] {strides = array<i32>} : memref<32x1024xf32, #tpu.memory_space<vmem>>, vector<16xf32>,
          %mul3A_103 = arith.mulf %gather3A_40, %get3A_102 : vector<16xf32>
          %add3A_104 = arith.addf %mul3A_99, %mul3A_103 : vector<16xf32>
          %swap3A_105 = arith.index_cast %scan3A_36 : i32 to index
          %swap3A_106 = arith.index_cast %mul3A_95 : i32 to index
          %swap3A_107 = tpu.vector_load %arg12[%swap3A_105, %swap3A_106] {strides = array<i32>} : memref<32x1024xf32, #tpu.memory_space<vmem>>, vector<16xf32>,
          tpu.vector_store %arg12[%swap3A_105, %swap3A_106], %add3A_104 {strides = array<i32>} : memref<32x1024xf32, #tpu.memory_space<vmem>>, vector<16xf32>,
        }
        %scan3A_46 = arith.constant 64 : i32
      }
      %scan3A_32 = arith.constant 32 : i32
      %mul3A_33 = arith.constant 32 : i32
      %mul3A_34 = arith.muli %scan3A_8, %mul3A_33 : i32
      %add3A_35 = arith.addi %mul3A_2, %mul3A_34 : i32
      "tpu.region"() ({
        %run_scoped3A = tpu.sem_alloc : memref<!tpu.dma_semaphore, #tpu.memory_space<semaphore_mem>>
        %dma_start3A_36 = arith.constant 0 : i32
        %dma_start3A_37 = tpu.memref_slice %arg7[%add3A_35, %dma_start3A_36] : memref<2048x1024xf32, #tpu.memory_space<hbm>> -> memref<32x1024xf32, #tpu.memory_space<hbm>>
        %dma_start3A_38 = arith.constant 0 : i32
        %dma_start3A_39 = tpu.memref_slice %arg7[%add3A_35, %dma_start3A_38] : memref<2048x1024xf32, #tpu.memory_space<hbm>> -> memref<32x1024xf32, #tpu.memory_space<hbm>>
        tpu.enqueue_dma source(%arg12 : memref<32x1024xf32, #tpu.memory_space<vmem>>) target(%dma_start3A_39 : memref<32x1024xf32, #tpu.memory_space<hbm>>) target_semaphore(%run_scoped3A : memref<!tpu.dma_semaphore, #tpu.memory_space<semaphore_mem>>)
        %dma_wait3A_40 = arith.constant 0 : i32
        %dma_wait3A_41 = tpu.memref_slice %arg7[%add3A_35, %dma_wait3A_40] : memref<2048x1024xf32, #tpu.memory_space<hbm>> -> memref<32x1024xf32, #tpu.memory_space<hbm>>
        %dma_wait3A_42 = arith.constant 0 : i32
        %dma_wait3A_43 = tpu.memref_slice %arg7[%add3A_35, %dma_wait3A_42] : memref<2048x1024xf32, #tpu.memory_space<hbm>> -> memref<32x1024xf32, #tpu.memory_space<hbm>>
        tpu.wait_dma2 semaphore(%run_scoped3A : memref<!tpu.dma_semaphore, #tpu.memory_space<semaphore_mem>>) src(%arg12 : memref<32x1024xf32, #tpu.memory_space<vmem>>) dst(%dma_wait3A_43 : memref<32x1024xf32, #tpu.memory_space<hbm>>)
        tpu.yield
      }) : () -> ()
    }
    %scan3A_7 = arith.constant 2 : i32
    return
  }
}

module attributes {stable_mosaic.version = 14 : i64} {
  func.func @_gmm_body(%arg0: i32, %arg1: memref<96xi32, #tpu.memory_space<smem>>, %arg2: memref<16xi32, #tpu.memory_space<smem>>, %arg3: memref<128x1024xf32, #tpu.memory_space<vmem>>, %arg4: memref<1x1024x1024xf32, #tpu.memory_space<vmem>>, %arg5: memref<1x512x1024xf32, #tpu.memory_space<vmem>>, %arg6: memref<128x1024xf32, #tpu.memory_space<vmem>>) attributes {dimension_semantics = [#tpu.dimension_semantics<arbitrary>], iteration_bounds = array<i64: 96>, scalar_prefetch = 2 : i64, scratch_operands = 0 : i64, tpu.core_type = #tpu.core_type<tc>, window_params = [{transform_indices = @transform_0, window_bounds = array<i64: 128, 1024>}, {transform_indices = @transform_1, window_bounds = array<i64: 1, 1024, 1024>}, {transform_indices = @transform_2, window_bounds = array<i64: 1, 512, 1024>}, {transform_indices = @transform_3, window_bounds = array<i64: 128, 1024>}]} {
    %get3A = arith.constant 0 : index
    %get3A_0 = memref.load %arg2[%get3A] : memref<16xi32, #tpu.memory_space<smem>>
    %lt3A = arith.cmpi slt, %arg0, %get3A_0 : i32
    %convert_element_type3A = arith.extui %lt3A : i1 to i32
    %cond3A = arith.constant 0 : i32
    %cond3A_1 = arith.cmpi ne, %convert_element_type3A, %cond3A : i32
    scf.if %cond3A_1 {
      %get3A_2 = arith.constant 0 : index
      %get3A_3 = arith.constant 0 : index
      %get3A_4 = vector.load %arg3[%get3A_2, %get3A_3] : memref<128x1024xf32, #tpu.memory_space<vmem>>, vector<128x1024xf32>
      %get3A_5 = arith.constant 0 : index
      %get3A_6 = arith.constant 0 : index
      %get3A_7 = arith.constant 0 : index
      %get3A_8 = vector.load %arg4[%get3A_5, %get3A_6, %get3A_7] : memref<1x1024x1024xf32, #tpu.memory_space<vmem>>, vector<1x1024x1024xf32>
      %get3A_9 = vector.shape_cast %get3A_8 : vector<1x1024x1024xf32> to vector<1024x1024xf32>
      %dot_general3A = arith.constant dense<0.000000e+00> : vector<128x1024xf32>
      %dot_general3A_10 = tpu.matmul %get3A_4, %get3A_9, %dot_general3A {dimension_numbers = #tpu.dot_dimension_numbers<[1], [0], [0], [1], [0, 0, 1, 1], [], []>, transpose_lhs_hint = false} : vector<128x1024xf32>, vector<1024x1024xf32>, vector<128x1024xf32> -> vector<128x1024xf32>
      %slice3A = vector.extract_strided_slice %dot_general3A_10 {offsets = [0, 0], sizes = [128, 512], strides = [1, 1]} : vector<128x1024xf32> to vector<128x512xf32>
      %slice3A_11 = vector.extract_strided_slice %dot_general3A_10 {offsets = [0, 512], sizes = [128, 512], strides = [1, 1]} : vector<128x1024xf32> to vector<128x512xf32>
      %logistic3A = arith.negf %slice3A : vector<128x512xf32>
      %logistic3A_12 = math.exp %logistic3A : vector<128x512xf32>
      %logistic3A_13 = arith.constant 1.000000e+00 : f32
      %logistic3A_14 = vector.broadcast %logistic3A_13 : f32 to vector<128x512xf32>
      %logistic3A_15 = arith.addf %logistic3A_14, %logistic3A_12 : vector<128x512xf32>
      %logistic3A_16 = arith.divf %logistic3A_14, %logistic3A_15 : vector<128x512xf32>
      %mul3A = arith.mulf %slice3A, %logistic3A_16 : vector<128x512xf32>
      %mul3A_17 = arith.mulf %mul3A, %slice3A_11 : vector<128x512xf32>
      %get3A_18 = arith.constant 0 : index
      %get3A_19 = arith.constant 0 : index
      %get3A_20 = arith.constant 0 : index
      %get3A_21 = vector.load %arg5[%get3A_18, %get3A_19, %get3A_20] : memref<1x512x1024xf32, #tpu.memory_space<vmem>>, vector<1x512x1024xf32>
      %get3A_22 = vector.shape_cast %get3A_21 : vector<1x512x1024xf32> to vector<512x1024xf32>
      %dot_general3A_23 = arith.constant dense<0.000000e+00> : vector<128x1024xf32>
      %dot_general3A_24 = tpu.matmul %mul3A_17, %get3A_22, %dot_general3A_23 {dimension_numbers = #tpu.dot_dimension_numbers<[1], [0], [0], [1], [0, 0, 1, 1], [], []>, transpose_lhs_hint = false} : vector<128x512xf32>, vector<512x1024xf32>, vector<128x1024xf32> -> vector<128x1024xf32>
      %swap3A = arith.constant 0 : index
      %swap3A_25 = arith.constant 0 : index
      %swap3A_26 = vector.load %arg6[%swap3A, %swap3A_25] : memref<128x1024xf32, #tpu.memory_space<vmem>>, vector<128x1024xf32>
      tpu.vector_store %arg6[%swap3A, %swap3A_25], %dot_general3A_24 {strides = array<i32>} : memref<128x1024xf32, #tpu.memory_space<vmem>>, vector<128x1024xf32>,
    } else {
    }
    return
  }
  func.func @transform_0(%arg0: i32, %arg1: memref<96xi32, #tpu.memory_space<smem>>, %arg2: memref<16xi32, #tpu.memory_space<smem>>) -> (i32, i32) {
    %get3A = arith.constant 0 : index
    %get3A_0 = memref.load %arg2[%get3A] : memref<16xi32, #tpu.memory_space<smem>>
    %sub3A = arith.constant 1 : i32
    %sub3A_1 = arith.subi %get3A_0, %sub3A : i32
    %min3A = arith.minsi %arg0, %sub3A_1 : i32
    %c0_i32 = arith.constant 0 : i32
    %c0_i32_2 = arith.constant 0 : i32
    return %min3A, %c0_i32 : i32, i32
  }
  func.func @transform_1(%arg0: i32, %arg1: memref<96xi32, #tpu.memory_space<smem>>, %arg2: memref<16xi32, #tpu.memory_space<smem>>) -> (i32, i32, i32) {
    %get3A = arith.index_cast %arg0 : i32 to index
    %get3A_0 = memref.load %arg1[%get3A] : memref<96xi32, #tpu.memory_space<smem>>
    %c0_i32 = arith.constant 0 : i32
    %c0_i32_1 = arith.constant 0 : i32
    %c0_i32_2 = arith.constant 0 : i32
    return %get3A_0, %c0_i32, %c0_i32_1 : i32, i32, i32
  }
  func.func @transform_2(%arg0: i32, %arg1: memref<96xi32, #tpu.memory_space<smem>>, %arg2: memref<16xi32, #tpu.memory_space<smem>>) -> (i32, i32, i32) {
    %get3A = arith.index_cast %arg0 : i32 to index
    %get3A_0 = memref.load %arg1[%get3A] : memref<96xi32, #tpu.memory_space<smem>>
    %c0_i32 = arith.constant 0 : i32
    %c0_i32_1 = arith.constant 0 : i32
    %c0_i32_2 = arith.constant 0 : i32
    return %get3A_0, %c0_i32, %c0_i32_1 : i32, i32, i32
  }
  func.func @transform_3(%arg0: i32, %arg1: memref<96xi32, #tpu.memory_space<smem>>, %arg2: memref<16xi32, #tpu.memory_space<smem>>) -> (i32, i32) {
    %get3A = arith.constant 0 : index
    %get3A_0 = memref.load %arg2[%get3A] : memref<16xi32, #tpu.memory_space<smem>>
    %sub3A = arith.constant 1 : i32
    %sub3A_1 = arith.subi %get3A_0, %sub3A : i32
    %min3A = arith.minsi %arg0, %sub3A_1 : i32
    %c0_i32 = arith.constant 0 : i32
    %c0_i32_2 = arith.constant 0 : i32
    return %min3A, %c0_i32 : i32, i32
  }
}

module attributes {stable_mosaic.version = 14 : i64} {
  func.func @_router_body(%arg0: i32, %arg1: memref<128x1024xf32, #tpu.memory_space<vmem>>, %arg2: memref<1024x64xf32, #tpu.memory_space<vmem>>, %arg3: memref<128x1xf32, #tpu.memory_space<vmem>>, %arg4: memref<128x1xf32, #tpu.memory_space<vmem>>, %arg5: memref<128x1xf32, #tpu.memory_space<vmem>>, %arg6: memref<128x1xf32, #tpu.memory_space<vmem>>, %arg7: memref<128x1xf32, #tpu.memory_space<vmem>>, %arg8: memref<128x1xf32, #tpu.memory_space<vmem>>, %arg9: memref<8x64xf32, #tpu.memory_space<vmem>>, %arg10: memref<8x128xf32, #tpu.memory_space<vmem>>, %arg11: memref<8x64xf32, #tpu.memory_space<vmem>>) attributes {dimension_semantics = [#tpu.dimension_semantics<arbitrary>], iteration_bounds = array<i64: 16>, scalar_prefetch = 0 : i64, scratch_operands = 1 : i64, tpu.core_type = #tpu.core_type<tc>, window_params = [{transform_indices = @transform_0, window_bounds = array<i64: 128, 1024>}, {pipeline_mode = #tpu.pipeline_mode<synchronous>, transform_indices = @transform_1, window_bounds = array<i64: 1024, 64>}, {transform_indices = @transform_2, window_bounds = array<i64: 128, 1>}, {transform_indices = @transform_3, window_bounds = array<i64: 128, 1>}, {transform_indices = @transform_4, window_bounds = array<i64: 128, 1>}, {transform_indices = @transform_5, window_bounds = array<i64: 128, 1>}, {transform_indices = @transform_6, window_bounds = array<i64: 128, 1>}, {transform_indices = @transform_7, window_bounds = array<i64: 128, 1>}, {pipeline_mode = #tpu.pipeline_mode<synchronous>, transform_indices = @transform_8, window_bounds = array<i64: 8, 64>}, {pipeline_mode = #tpu.pipeline_mode<synchronous>, transform_indices = @transform_9, window_bounds = array<i64: 8, 128>}]} {
    %eq3A = arith.constant 0 : i32
    %eq3A_0 = arith.cmpi eq, %arg0, %eq3A : i32
    %convert_element_type3A = arith.extui %eq3A_0 : i1 to i32
    %cond3A = arith.constant 0 : i32
    %cond3A_1 = arith.cmpi ne, %convert_element_type3A, %cond3A : i32
    scf.if %cond3A_1 {
      %broadcast_in_dim3A_109 = arith.constant 0.000000e+00 : f32
      %broadcast_in_dim3A_110 = vector.broadcast %broadcast_in_dim3A_109 : f32 to vector<8x64xf32>
      %swap3A_111 = arith.constant 0 : index
      %swap3A_112 = arith.constant 0 : index
      %swap3A_113 = vector.load %arg11[%swap3A_111, %swap3A_112] : memref<8x64xf32, #tpu.memory_space<vmem>>, vector<8x64xf32>
      tpu.vector_store %arg11[%swap3A_111, %swap3A_112], %broadcast_in_dim3A_110 {strides = array<i32>} : memref<8x64xf32, #tpu.memory_space<vmem>>, vector<8x64xf32>,
    } else {
    }
    %get3A = arith.constant 0 : index
    %get3A_2 = arith.constant 0 : index
    %get3A_3 = vector.load %arg1[%get3A, %get3A_2] : memref<128x1024xf32, #tpu.memory_space<vmem>>, vector<128x1024xf32>
    %get3A_4 = arith.constant 0 : index
    %get3A_5 = arith.constant 0 : index
    %get3A_6 = vector.load %arg2[%get3A_4, %get3A_5] : memref<1024x64xf32, #tpu.memory_space<vmem>>, vector<1024x64xf32>
    %dot_general3A = arith.constant dense<0.000000e+00> : vector<128x64xf32>
    %dot_general3A_7 = tpu.matmul %get3A_3, %get3A_6, %dot_general3A {dimension_numbers = #tpu.dot_dimension_numbers<[1], [0], [0], [1], [0, 0, 1, 1], [], []>, transpose_lhs_hint = false} : vector<128x1024xf32>, vector<1024x64xf32>, vector<128x64xf32> -> vector<128x64xf32>
    %reduce_max3A = arith.constant dense<0xFF800000> : vector<128xf32>
    %reduce_max3A_8 = vector.multi_reduction <maximumf>, %dot_general3A_7, %reduce_max3A [1] : vector<128x64xf32> to vector<128xf32>
    %max3A = arith.constant 0xFF800000 : f32
    %max3A_9 = vector.broadcast %max3A : f32 to vector<128xf32>
    %max3A_10 = arith.maximumf %max3A_9, %reduce_max3A_8 : vector<128xf32>
    %broadcast_in_dim3A = vector.shape_cast %max3A_10 : vector<128xf32> to vector<128x1xf32>
    %sub3A = vector.broadcast %broadcast_in_dim3A : vector<128x1xf32> to vector<128x64xf32>
    %sub3A_11 = arith.subf %dot_general3A_7, %sub3A : vector<128x64xf32>
    %exp3A = math.exp %sub3A_11 : vector<128x64xf32>
    %reduce_sum3A = arith.constant dense<0.000000e+00> : vector<128xf32>
    %reduce_sum3A_12 = vector.multi_reduction <add>, %exp3A, %reduce_sum3A [1] : vector<128x64xf32> to vector<128xf32>
    %broadcast_in_dim3A_13 = vector.shape_cast %reduce_sum3A_12 : vector<128xf32> to vector<128x1xf32>
    %div3A = vector.broadcast %broadcast_in_dim3A_13 : vector<128x1xf32> to vector<128x64xf32>
    %div3A_14 = arith.divf %exp3A, %div3A : vector<128x64xf32>
    %iota3A = tpu.iota {dimensions = array<i32: 1>} : vector<128x64xi32>
    %reduce_max3A_15 = arith.constant dense<0xFF800000> : vector<128xf32>
    %reduce_max3A_16 = vector.multi_reduction <maximumf>, %div3A_14, %reduce_max3A_15 [1] : vector<128x64xf32> to vector<128xf32>
    %broadcast_in_dim3A_17 = vector.shape_cast %reduce_max3A_16 : vector<128xf32> to vector<128x1xf32>
    %ge3A = vector.broadcast %broadcast_in_dim3A_17 : vector<128x1xf32> to vector<128x64xf32>
    %ge3A_18 = arith.cmpf oge, %div3A_14, %ge3A : vector<128x64xf32>
    %jit3A = arith.constant 64 : i32
    %broadcast_in_dim3A_19 = vector.broadcast %jit3A : i32 to vector<128x64xi32>
    %select_n3A = arith.select %ge3A_18, %iota3A, %broadcast_in_dim3A_19 : vector<128x64xi1>, vector<128x64xi32>
    %reduce_min3A = arith.constant dense<2147483647> : vector<128xi32>
    %reduce_min3A_20 = vector.multi_reduction <minsi>, %select_n3A, %reduce_min3A [1] : vector<128x64xi32> to vector<128xi32>
    %broadcast_in_dim3A_21 = vector.shape_cast %reduce_min3A_20 : vector<128xi32> to vector<128x1xi32>
    %eq3A_22 = vector.broadcast %broadcast_in_dim3A_21 : vector<128x1xi32> to vector<128x64xi32>
    %eq3A_23 = arith.cmpi eq, %iota3A, %eq3A_22 : vector<128x64xi32>
    %jit3A_24 = arith.constant -1.000000e+00 : f32
    %broadcast_in_dim3A_25 = vector.broadcast %jit3A_24 : f32 to vector<128x64xf32>
    %select_n3A_26 = arith.select %eq3A_23, %broadcast_in_dim3A_25, %div3A_14 : vector<128x64xi1>, vector<128x64xf32>
    %reduce_max3A_27 = arith.constant dense<0xFF800000> : vector<128xf32>
    %reduce_max3A_28 = vector.multi_reduction <maximumf>, %select_n3A_26, %reduce_max3A_27 [1] : vector<128x64xf32> to vector<128xf32>
    %broadcast_in_dim3A_29 = vector.shape_cast %reduce_max3A_28 : vector<128xf32> to vector<128x1xf32>
    %ge3A_30 = vector.broadcast %broadcast_in_dim3A_29 : vector<128x1xf32> to vector<128x64xf32>
    %ge3A_31 = arith.cmpf oge, %select_n3A_26, %ge3A_30 : vector<128x64xf32>
    %jit3A_32 = arith.constant 64 : i32
    %broadcast_in_dim3A_33 = vector.broadcast %jit3A_32 : i32 to vector<128x64xi32>
    %select_n3A_34 = arith.select %ge3A_31, %iota3A, %broadcast_in_dim3A_33 : vector<128x64xi1>, vector<128x64xi32>
    %reduce_min3A_35 = arith.constant dense<2147483647> : vector<128xi32>
    %reduce_min3A_36 = vector.multi_reduction <minsi>, %select_n3A_34, %reduce_min3A_35 [1] : vector<128x64xi32> to vector<128xi32>
    %broadcast_in_dim3A_37 = vector.shape_cast %reduce_min3A_36 : vector<128xi32> to vector<128x1xi32>
    %add3A = arith.addf %broadcast_in_dim3A_17, %broadcast_in_dim3A_29 : vector<128x1xf32>
    %eq3A_38 = vector.broadcast %broadcast_in_dim3A_21 : vector<128x1xi32> to vector<128x64xi32>
    %eq3A_39 = arith.cmpi eq, %iota3A, %eq3A_38 : vector<128x64xi32>
    %convert_element_type3A_40 = arith.extui %eq3A_39 : vector<128x64xi1> to vector<128x64xi32>
    %convert_element_type3A_41 = arith.sitofp %convert_element_type3A_40 : vector<128x64xi32> to vector<128x64xf32>
    %eq3A_42 = vector.broadcast %broadcast_in_dim3A_37 : vector<128x1xi32> to vector<128x64xi32>
    %eq3A_43 = arith.cmpi eq, %iota3A, %eq3A_42 : vector<128x64xi32>
    %convert_element_type3A_44 = arith.extui %eq3A_43 : vector<128x64xi1> to vector<128x64xi32>
    %convert_element_type3A_45 = arith.sitofp %convert_element_type3A_44 : vector<128x64xi32> to vector<128x64xf32>
    %add3A_46 = arith.addf %convert_element_type3A_41, %convert_element_type3A_45 : vector<128x64xf32>
    %iota3A_47 = tpu.iota {dimensions = array<i32: 0>} : vector<128x128xi32>
    %iota3A_48 = tpu.iota {dimensions = array<i32: 1>} : vector<128x128xi32>
    %lt3A = arith.cmpi slt, %iota3A_48, %iota3A_47 : vector<128x128xi32>
    %convert_element_type3A_49 = arith.extui %lt3A : vector<128x128xi1> to vector<128x128xi32>
    %convert_element_type3A_50 = arith.sitofp %convert_element_type3A_49 : vector<128x128xi32> to vector<128x128xf32>
    %get3A_51 = arith.constant 0 : index
    %get3A_52 = arith.constant 0 : index
    %get3A_53 = vector.load %arg11[%get3A_51, %get3A_52] : memref<8x64xf32, #tpu.memory_space<vmem>>, vector<1x64xf32>
    %dot_general3A_54 = arith.constant dense<0.000000e+00> : vector<128x64xf32>
    %dot_general3A_55 = tpu.matmul %convert_element_type3A_50, %add3A_46, %dot_general3A_54 {dimension_numbers = #tpu.dot_dimension_numbers<[1], [0], [0], [1], [0, 0, 1, 1], [], []>, transpose_lhs_hint = false} : vector<128x128xf32>, vector<128x64xf32>, vector<128x64xf32> -> vector<128x64xf32>
    %add3A_56 = vector.broadcast %get3A_53 : vector<1x64xf32> to vector<128x64xf32>
    %add3A_57 = arith.addf %add3A_56, %dot_general3A_55 : vector<128x64xf32>
    %div3A_58 = arith.divf %broadcast_in_dim3A_17, %add3A : vector<128x1xf32>
    %swap3A = arith.constant 0 : index
    %swap3A_59 = arith.constant 0 : index
    %swap3A_60 = vector.load %arg3[%swap3A, %swap3A_59] : memref<128x1xf32, #tpu.memory_space<vmem>>, vector<128x1xf32>
    tpu.vector_store %arg3[%swap3A, %swap3A_59], %div3A_58 {strides = array<i32>} : memref<128x1xf32, #tpu.memory_space<vmem>>, vector<128x1xf32>,
    %div3A_61 = arith.divf %broadcast_in_dim3A_29, %add3A : vector<128x1xf32>
    %swap3A_62 = arith.constant 0 : index
    %swap3A_63 = arith.constant 0 : index
    %swap3A_64 = vector.load %arg4[%swap3A_62, %swap3A_63] : memref<128x1xf32, #tpu.memory_space<vmem>>, vector<128x1xf32>
    tpu.vector_store %arg4[%swap3A_62, %swap3A_63], %div3A_61 {strides = array<i32>} : memref<128x1xf32, #tpu.memory_space<vmem>>, vector<128x1xf32>,
    %convert_element_type3A_65 = arith.sitofp %broadcast_in_dim3A_21 : vector<128x1xi32> to vector<128x1xf32>
    %swap3A_66 = arith.constant 0 : index
    %swap3A_67 = arith.constant 0 : index
    %swap3A_68 = vector.load %arg5[%swap3A_66, %swap3A_67] : memref<128x1xf32, #tpu.memory_space<vmem>>, vector<128x1xf32>
    tpu.vector_store %arg5[%swap3A_66, %swap3A_67], %convert_element_type3A_65 {strides = array<i32>} : memref<128x1xf32, #tpu.memory_space<vmem>>, vector<128x1xf32>,
    %convert_element_type3A_69 = arith.sitofp %broadcast_in_dim3A_37 : vector<128x1xi32> to vector<128x1xf32>
    %swap3A_70 = arith.constant 0 : index
    %swap3A_71 = arith.constant 0 : index
    %swap3A_72 = vector.load %arg6[%swap3A_70, %swap3A_71] : memref<128x1xf32, #tpu.memory_space<vmem>>, vector<128x1xf32>
    tpu.vector_store %arg6[%swap3A_70, %swap3A_71], %convert_element_type3A_69 {strides = array<i32>} : memref<128x1xf32, #tpu.memory_space<vmem>>, vector<128x1xf32>,
    %mul3A = arith.mulf %add3A_57, %convert_element_type3A_41 : vector<128x64xf32>
    %reduce_sum3A_73 = arith.constant dense<0.000000e+00> : vector<128xf32>
    %reduce_sum3A_74 = vector.multi_reduction <add>, %mul3A, %reduce_sum3A_73 [1] : vector<128x64xf32> to vector<128xf32>
    %broadcast_in_dim3A_75 = vector.shape_cast %reduce_sum3A_74 : vector<128xf32> to vector<128x1xf32>
    %swap3A_76 = arith.constant 0 : index
    %swap3A_77 = arith.constant 0 : index
    %swap3A_78 = vector.load %arg7[%swap3A_76, %swap3A_77] : memref<128x1xf32, #tpu.memory_space<vmem>>, vector<128x1xf32>
    tpu.vector_store %arg7[%swap3A_76, %swap3A_77], %broadcast_in_dim3A_75 {strides = array<i32>} : memref<128x1xf32, #tpu.memory_space<vmem>>, vector<128x1xf32>,
    %mul3A_79 = arith.mulf %add3A_57, %convert_element_type3A_45 : vector<128x64xf32>
    %reduce_sum3A_80 = arith.constant dense<0.000000e+00> : vector<128xf32>
    %reduce_sum3A_81 = vector.multi_reduction <add>, %mul3A_79, %reduce_sum3A_80 [1] : vector<128x64xf32> to vector<128xf32>
    %broadcast_in_dim3A_82 = vector.shape_cast %reduce_sum3A_81 : vector<128xf32> to vector<128x1xf32>
    %swap3A_83 = arith.constant 0 : index
    %swap3A_84 = arith.constant 0 : index
    %swap3A_85 = vector.load %arg8[%swap3A_83, %swap3A_84] : memref<128x1xf32, #tpu.memory_space<vmem>>, vector<128x1xf32>
    tpu.vector_store %arg8[%swap3A_83, %swap3A_84], %broadcast_in_dim3A_82 {strides = array<i32>} : memref<128x1xf32, #tpu.memory_space<vmem>>, vector<128x1xf32>,
    %get3A_86 = arith.constant 0 : index
    %get3A_87 = arith.constant 0 : index
    %get3A_88 = vector.load %arg11[%get3A_86, %get3A_87] : memref<8x64xf32, #tpu.memory_space<vmem>>, vector<1x64xf32>
    %reduce_sum3A_89 = arith.constant dense<0.000000e+00> : vector<64xf32>
    %reduce_sum3A_90 = vector.multi_reduction <add>, %add3A_46, %reduce_sum3A_89 [0] : vector<128x64xf32> to vector<64xf32>
    %broadcast_in_dim3A_91 = vector.shape_cast %reduce_sum3A_90 : vector<64xf32> to vector<1x64xf32>
    %add3A_92 = arith.addf %get3A_88, %broadcast_in_dim3A_91 : vector<1x64xf32>
    %swap3A_93 = arith.constant 0 : index
    %swap3A_94 = arith.constant 0 : index
    %swap3A_95 = vector.load %arg11[%swap3A_93, %swap3A_94] : memref<8x64xf32, #tpu.memory_space<vmem>>, vector<1x64xf32>
    tpu.vector_store %arg11[%swap3A_93, %swap3A_94], %add3A_92 {strides = array<i32>} : memref<8x64xf32, #tpu.memory_space<vmem>>, vector<1x64xf32>,
    %get3A_96 = arith.constant 0 : index
    %get3A_97 = arith.constant 0 : index
    %get3A_98 = vector.load %arg11[%get3A_96, %get3A_97] : memref<8x64xf32, #tpu.memory_space<vmem>>, vector<1x64xf32>
    %broadcast_in_dim3A_99 = vector.shape_cast %get3A_98 : vector<1x64xf32> to vector<1x64xf32>
    %broadcast_in_dim3A_100 = vector.broadcast %broadcast_in_dim3A_99 : vector<1x64xf32> to vector<8x64xf32>
    %swap3A_101 = arith.constant 0 : index
    %swap3A_102 = arith.constant 0 : index
    %swap3A_103 = vector.load %arg9[%swap3A_101, %swap3A_102] : memref<8x64xf32, #tpu.memory_space<vmem>>, vector<8x64xf32>
    tpu.vector_store %arg9[%swap3A_101, %swap3A_102], %broadcast_in_dim3A_100 {strides = array<i32>} : memref<8x64xf32, #tpu.memory_space<vmem>>, vector<8x64xf32>,
    %eq3A_104 = arith.constant 15 : i32
    %eq3A_105 = arith.cmpi eq, %arg0, %eq3A_104 : i32
    %convert_element_type3A_106 = arith.extui %eq3A_105 : i1 to i32
    %cond3A_107 = arith.constant 0 : i32
    %cond3A_108 = arith.cmpi ne, %convert_element_type3A_106, %cond3A_107 : i32
    scf.if %cond3A_108 {
      %get3A_109 = arith.constant 0 : index
      %get3A_110 = arith.constant 0 : index
      %get3A_111 = vector.load %arg11[%get3A_109, %get3A_110] : memref<8x64xf32, #tpu.memory_space<vmem>>, vector<1x64xf32>
      %add3A_112 = arith.constant 1.270000e+02 : f32
      %add3A_113 = vector.broadcast %add3A_112 : f32 to vector<1x64xf32>
      %add3A_114 = arith.addf %get3A_111, %add3A_113 : vector<1x64xf32>
      %mul3A_115 = arith.constant 7.812500e-03 : f32
      %mul3A_116 = vector.broadcast %mul3A_115 : f32 to vector<1x64xf32>
      %mul3A_117 = arith.mulf %add3A_114, %mul3A_116 : vector<1x64xf32>
      %floor3A = math.floor %mul3A_117 : vector<1x64xf32>
      %iota3A_118 = tpu.iota {dimensions = array<i32: 0>} : vector<64x64xi32>
      %iota3A_119 = tpu.iota {dimensions = array<i32: 1>} : vector<64x64xi32>
      %le3A = arith.cmpi sle, %iota3A_118, %iota3A_119 : vector<64x64xi32>
      %convert_element_type3A_120 = arith.extui %le3A : vector<64x64xi1> to vector<64x64xi32>
      %convert_element_type3A_121 = arith.sitofp %convert_element_type3A_120 : vector<64x64xi32> to vector<64x64xf32>
      %dot_general3A_122 = arith.constant dense<0.000000e+00> : vector<1x64xf32>
      %dot_general3A_123 = tpu.matmul %floor3A, %convert_element_type3A_121, %dot_general3A_122 {dimension_numbers = #tpu.dot_dimension_numbers<[1], [0], [0], [1], [0, 0, 1, 1], [], []>, transpose_lhs_hint = false} : vector<1x64xf32>, vector<64x64xf32>, vector<1x64xf32> -> vector<1x64xf32>
      %sub3A_124 = arith.subf %dot_general3A_123, %floor3A : vector<1x64xf32>
      %mul3A_125 = arith.constant 1.280000e+02 : f32
      %mul3A_126 = vector.broadcast %mul3A_125 : f32 to vector<1x64xf32>
      %mul3A_127 = arith.mulf %sub3A_124, %mul3A_126 : vector<1x64xf32>
      %slice3A = vector.extract_strided_slice %dot_general3A_123 {offsets = [0, 63], sizes = [1, 1], strides = [1, 1]} : vector<1x64xf32> to vector<1x1xf32>
      %ge3A_128 = arith.cmpi sge, %iota3A_118, %iota3A_119 : vector<64x64xi32>
      %convert_element_type3A_129 = arith.extui %ge3A_128 : vector<64x64xi1> to vector<64x64xi32>
      %convert_element_type3A_130 = arith.sitofp %convert_element_type3A_129 : vector<64x64xi32> to vector<64x64xf32>
      %dot_general3A_131 = arith.constant dense<0.000000e+00> : vector<64x1xf32>
      %dot_general3A_132 = tpu.matmul %convert_element_type3A_130, %floor3A, %dot_general3A_131 {dimension_numbers = #tpu.dot_dimension_numbers<[1], [1], [0], [0], [0, 0, 1, 0], [], []>, transpose_lhs_hint = false} : vector<64x64xf32>, vector<1x64xf32>, vector<64x1xf32> -> vector<64x1xf32>
      %iota3A_133 = tpu.iota {dimensions = array<i32: 1>} : vector<64x128xi32>
      %convert_element_type3A_134 = arith.sitofp %iota3A_133 : vector<64x128xi32> to vector<64x128xf32>
      %le3A_135 = vector.broadcast %dot_general3A_132 : vector<64x1xf32> to vector<64x128xf32>
      %le3A_136 = arith.cmpf ole, %le3A_135, %convert_element_type3A_134 : vector<64x128xf32>
      %convert_element_type3A_137 = arith.extui %le3A_136 : vector<64x128xi1> to vector<64x128xi32>
      %convert_element_type3A_138 = arith.sitofp %convert_element_type3A_137 : vector<64x128xi32> to vector<64x128xf32>
      %broadcast_in_dim3A_139 = arith.constant 1.000000e+00 : f32
      %broadcast_in_dim3A_140 = vector.broadcast %broadcast_in_dim3A_139 : f32 to vector<1x64xf32>
      %dot_general3A_141 = arith.constant dense<0.000000e+00> : vector<1x128xf32>
      %dot_general3A_142 = tpu.matmul %broadcast_in_dim3A_140, %convert_element_type3A_138, %dot_general3A_141 {dimension_numbers = #tpu.dot_dimension_numbers<[1], [0], [0], [1], [0, 0, 1, 1], [], []>, transpose_lhs_hint = false} : vector<1x64xf32>, vector<64x128xf32>, vector<1x128xf32> -> vector<1x128xf32>
      %min3A = arith.constant 6.300000e+01 : f32
      %min3A_143 = vector.broadcast %min3A : f32 to vector<1x128xf32>
      %min3A_144 = arith.minimumf %dot_general3A_142, %min3A_143 : vector<1x128xf32>
      %broadcast_in_dim3A_145 = arith.constant 0.000000e+00 : f32
      %broadcast_in_dim3A_146 = vector.broadcast %broadcast_in_dim3A_145 : f32 to vector<1x64xf32>
      %concatenate3A = tpu.concatenate %mul3A_127, %broadcast_in_dim3A_146 in 1 : vector<1x64xf32>, vector<1x64xf32> -> vector<1x128xf32>
      %broadcast_in_dim3A_147 = vector.shape_cast %slice3A : vector<1x1xf32> to vector<1x1xf32>
      %broadcast_in_dim3A_148 = vector.broadcast %broadcast_in_dim3A_147 : vector<1x1xf32> to vector<1x128xf32>
      %broadcast_in_dim3A_149 = arith.constant 0.000000e+00 : f32
      %broadcast_in_dim3A_150 = vector.broadcast %broadcast_in_dim3A_149 : f32 to vector<5x128xf32>
      %concatenate3A_151 = tpu.concatenate %min3A_144, %concatenate3A, %broadcast_in_dim3A_148, %broadcast_in_dim3A_150 in 0 : vector<1x128xf32>, vector<1x128xf32>, vector<1x128xf32>, vector<5x128xf32> -> vector<8x128xf32>
      %swap3A_152 = arith.constant 0 : index
      %swap3A_153 = arith.constant 0 : index
      %swap3A_154 = vector.load %arg10[%swap3A_152, %swap3A_153] : memref<8x128xf32, #tpu.memory_space<vmem>>, vector<8x128xf32>
      tpu.vector_store %arg10[%swap3A_152, %swap3A_153], %concatenate3A_151 {strides = array<i32>} : memref<8x128xf32, #tpu.memory_space<vmem>>, vector<8x128xf32>,
    } else {
    }
    return
  }
  func.func @transform_0(%arg0: i32) -> (i32, i32) {
    %c0_i32 = arith.constant 0 : i32
    %c0_i32_0 = arith.constant 0 : i32
    return %arg0, %c0_i32 : i32, i32
  }
  func.func @transform_1(%arg0: i32) -> (i32, i32) {
    %c0_i32 = arith.constant 0 : i32
    %c0_i32_0 = arith.constant 0 : i32
    %c0_i32_1 = arith.constant 0 : i32
    return %c0_i32, %c0_i32_0 : i32, i32
  }
  func.func @transform_2(%arg0: i32) -> (i32, i32) {
    %c0_i32 = arith.constant 0 : i32
    %c0_i32_0 = arith.constant 0 : i32
    return %arg0, %c0_i32 : i32, i32
  }
  func.func @transform_3(%arg0: i32) -> (i32, i32) {
    %c0_i32 = arith.constant 0 : i32
    %c0_i32_0 = arith.constant 0 : i32
    return %arg0, %c0_i32 : i32, i32
  }
  func.func @transform_4(%arg0: i32) -> (i32, i32) {
    %c0_i32 = arith.constant 0 : i32
    %c0_i32_0 = arith.constant 0 : i32
    return %arg0, %c0_i32 : i32, i32
  }
  func.func @transform_5(%arg0: i32) -> (i32, i32) {
    %c0_i32 = arith.constant 0 : i32
    %c0_i32_0 = arith.constant 0 : i32
    return %arg0, %c0_i32 : i32, i32
  }
  func.func @transform_6(%arg0: i32) -> (i32, i32) {
    %c0_i32 = arith.constant 0 : i32
    %c0_i32_0 = arith.constant 0 : i32
    return %arg0, %c0_i32 : i32, i32
  }
  func.func @transform_7(%arg0: i32) -> (i32, i32) {
    %c0_i32 = arith.constant 0 : i32
    %c0_i32_0 = arith.constant 0 : i32
    return %arg0, %c0_i32 : i32, i32
  }
  func.func @transform_8(%arg0: i32) -> (i32, i32) {
    %c0_i32 = arith.constant 0 : i32
    %c0_i32_0 = arith.constant 0 : i32
    %c0_i32_1 = arith.constant 0 : i32
    return %c0_i32, %c0_i32_0 : i32, i32
  }
  func.func @transform_9(%arg0: i32) -> (i32, i32) {
    %c0_i32 = arith.constant 0 : i32
    %c0_i32_0 = arith.constant 0 : i32
    %c0_i32_1 = arith.constant 0 : i32
    return %c0_i32, %c0_i32_0 : i32, i32
  }
}

</mosaic_0001>

<sc_bundles>
// kernel: kernel.6.cloned.1.call-start
scs
__scs_entry_jumppad:
0x0: {  	(pc) =	sbr.rel $0x88, $3  }
0x1: {  	(tag) =	ssettag $0x0;
	lr =	simm.s32 $0x1  }
0x2: {  	[smem:$0x3F9D] =	sst lr;
	_ =	strace $0xD0000000  }
0x3: {  	_ = 	snop  }
0x4: {  	_ = 	snop  }
0x5: {  	_ = 	snop  }
0x6: {  	_ = 	snop  }
0x7: {  	_ = 	snop  }
__scs_overlays_trampoline_lowered:
0x8: {  	[smem:$0x3FAC] =	sst s0  }
0x9: {  	[smem:$0x3FAD] =	sst s1  }
0xa: {  	[smem:$0x3FAE] =	sst s2  }
0xb: {  	[smem:$0x3FAF] =	sst s3  }
0xc: {  	[smem:$0x3FB0] =	sst s4  }
0xd: {  	[smem:$0x3FB1] =	sst s5  }
0xe: {  	[smem:$0x3FB2] =	sst s6  }
0xf: {  	[smem:$0x3FB3] =	sst s7  }
0x10: {  	[smem:$0x3FB4] =	sst s8  }
0x11: {  	[smem:$0x3FB5] =	sst s9;
	s0 =	simm.s32 @!p0 $0x0  }
0x12: {  	s1 =	sld [smem:$0x3F9B];
	s0 =	simm.s32 @p0 $0x1  }
0x13: {  	[smem:$0x3FB6] =	sst s0;
	s0 =	simm.s32 @!p1 $0x0  }
0x14: {  	s2 =	sld [smem:$0x3F9A];
	s0 =	simm.s32 @p1 $0x1  }
0x15: {  	[smem:$0x3FB7] =	sst s0;
	s0 =	simm.s32 @!p2 $0x0  }
0x16: {  	s3 =	sld [smem:$0x3FDB];
	s0 =	simm.s32 @p2 $0x1  }
0x17: {  	s4 =	simm.s32 $0x1BF5;
	[smem:$0x3FB9] =	sst s0  }
0x18: {  	s0 =	sld [smem:$0x3F9C];
	_ =	swait.ge [sflag:s4], $0x0  }
0x19: {  	s7 =	sld [smem:$0x3F9D]  }
0x1a: {  	s8 =	sadd.s32 $0xFFFFE003, lr  }
0x1b: {  	s9 =	sadd.s32 $0xFFFFFEF7, lr;
	s5 =	simm.s32 $0xFFFFFFFF;
	p2 =	slt.u32 s8, $0xFFFFF086  }
0x1c: {  	p1 =	slt.u32 s9, $0xF7A;
	s5 =	simm.s32 @!p2 $0x0  }
0x1d: {  	s5 =	simm.s32 @p1 $0x1;
	p0 =	seq.s32 s7, s2  }
0x1e: {  	s7 =	smul.u32 @!p0 $0xF7A, s2;
	p2 =	seq.s32 @!p0 s5, $0x0  }
0x1f: {  	s9 =	smul.u32 $0xF7A, s1;
	s8 =	simm.s32 @!p0 $0x1BF5;
	p2 =	por !p2, p0  }
0x20: {  	[sflag:s8] =	ssyncset.s32 @!p0 $0xFFFFF086;
	s6 =	sadd.s32 @!p0 s3, s7;
	s7 =	simm.s32 @!p0 $0x108  }
0x21: {  	s3 =	sadd.s32 s3, s9;
	s6 =	sadd.s32 @!p0 $0x88, s6;
	s7 =	simm.s32 @p2 $0x1082  }
0x22: {  	[simem:s7], [sflag:s8] =	dma.local @!p0 [hbm:s6], $0xF7A  }
0x23: {  	s9 =	sor.u32 $0xD0000000, s2;
	s6 =	simm.s32 $0x108;
	_ =	swait.ge @!p0 [sflag:s8], $0x0  }
0x24: {  	s3 =	sadd.s32 $0x88, s3;
	s6 =	simm.s32 @!p1 $0x1082;
	[sflag:s4] =	ssyncset.s32 $0xFFFFF086  }
0x25: {  	[simem:s6], [sflag:s4] =	dma.local [hbm:s3], $0xF7A  }
0x26: {  	[smem:$0x3F9D] =	sst s1;
	(tag) =	ssettag s2;
	_ =	strace s9  }
0x27: {  	s1 =	sld [smem:$0x3FAD]  }
0x28: {  	s2 =	sld [smem:$0x3FAE]  }
0x29: {  	s4 =	sld [smem:$0x3FB0]  }
0x2a: {  	p0 =	seq.s32 s5, $0x0;
	s5 =	sld [smem:$0x3FB1]  }
0x2b: {  	s6 =	sld [smem:$0x3FB2]  }
0x2c: {  	s7 =	sld [smem:$0x3FB3]  }
0x2d: {  	s3 =	simm.s32 $0x108;
	s8 =	sld [smem:$0x3FB4]  }
0x2e: {  	s3 =	simm.s32 @!p0 $0x1082;
	s9 =	sld [smem:$0x3FB5]  }
0x2f: {  	lr =	sadd.s32 s0, s3;
	s0 =	sld [smem:$0x3FAC]  }
0x30: {  	s3 =	sld [smem:$0x3FAF]  }
0x31: {  	[smem:$0x3FB8] =	sst s10  }
0x32: {  	s10 =	sld [smem:$0x3FB6];
	_ =	sdelay $0x3  }
0x33: {  	p0 =	seq.s32 s10, $0x1;
	s10 =	sld [smem:$0x3FB8];
	_ =	sdelay $0x3  }
0x34: {  	[smem:$0x3FB8] =	sst s10  }
0x35: {  	s10 =	sld [smem:$0x3FB7];
	_ =	sdelay $0x3  }
0x36: {  	p1 =	seq.s32 s10, $0x1;
	s10 =	sld [smem:$0x3FB8];
	_ =	sdelay $0x3  }
0x37: {  	[smem:$0x3FB8] =	sst s10  }
0x38: {  	s10 =	sld [smem:$0x3FB9]  }
0x39: {  	_ = 	snop;
	(pc) =	sbr.ind lr, $3  }
0x3a: {  	_ = 	snop  }
0x3b: {  	_ = 	snop  }
0x3c: {  	p2 =	seq.s32 s10, $0x1;
	s10 =	sld [smem:$0x3FB8]  }
0x3d: {  	_ =	shalt  }
0x3e: {  	_ =	shalt  }
0x3f: {  	_ =	shalt  }
0x40: {  	_ =	shalt  }
0x41: {  	_ =	shalt  }
0x42: {  	_ =	shalt  }
0x43: {  	_ =	shalt  }
0x44: {  	_ =	shalt  }
0x45: {  	_ =	shalt  }
0x46: {  	_ =	shalt  }
0x47: {  	_ =	shalt  }
0x48: {  	_ =	shalt  }
0x49: {  	_ =	shalt  }
0x4a: {  	_ =	shalt  }
0x4b: {  	_ =	shalt  }
0x4c: {  	_ =	shalt  }
0x4d: {  	_ =	shalt  }
0x4e: {  	_ =	shalt  }
0x4f: {  	_ =	shalt  }
0x50: {  	_ =	shalt  }
0x51: {  	_ =	shalt  }
0x52: {  	_ =	shalt  }
0x53: {  	_ =	shalt  }
0x54: {  	_ =	shalt  }
0x55: {  	_ =	shalt  }
0x56: {  	_ =	shalt  }
0x57: {  	_ =	shalt  }
0x58: {  	_ =	shalt  }
0x59: {  	_ =	shalt  }
0x5a: {  	_ =	shalt  }
0x5b: {  	_ =	shalt  }
0x5c: {  	_ =	shalt  }
0x5d: {  	_ =	shalt  }
0x5e: {  	_ =	shalt  }
0x5f: {  	_ =	shalt  }
0x60: {  	_ =	shalt  }
0x61: {  	_ =	shalt  }
0x62: {  	_ =	shalt  }
0x63: {  	_ =	shalt  }
0x64: {  	_ =	shalt  }
0x65: {  	_ =	shalt  }
0x66: {  	_ =	shalt  }
0x67: {  	_ =	shalt  }
0x68: {  	_ =	shalt  }
0x69: {  	_ =	shalt  }
0x6a: {  	_ =	shalt  }
0x6b: {  	_ =	shalt  }
0x6c: {  	_ =	shalt  }
0x6d: {  	_ =	shalt  }
0x6e: {  	_ =	shalt  }
0x6f: {  	_ =	shalt  }
0x70: {  	_ =	shalt  }
0x71: {  	_ =	shalt  }
0x72: {  	_ =	shalt  }
0x73: {  	_ =	shalt  }
0x74: {  	_ =	shalt  }
0x75: {  	_ =	shalt  }
0x76: {  	_ =	shalt  }
0x77: {  	_ =	shalt  }
0x78: {  	_ =	shalt  }
0x79: {  	_ =	shalt  }
0x7a: {  	_ =	shalt  }
0x7b: {  	_ =	shalt  }
0x7c: {  	_ =	shalt  }
0x7d: {  	_ =	shalt  }
0x7e: {  	_ =	shalt  }
0x7f: {  	_ =	shalt  }
0x80: {  	_ =	shalt  }
0x81: {  	_ =	shalt  }
0x82: {  	_ =	shalt  }
0x83: {  	_ =	shalt  }
0x84: {  	_ =	shalt  }
0x85: {  	_ =	shalt  }
0x86: {  	_ =	shalt  }
0x87: {  	_ =	shalt  }
.Lfunc_end0:
.L_simem_size_0:
called_computation_lowered:
.L_overlay_start_0:
0x88: {  	s2 =	sld [smem:$0x3FD9]  }
0x89: {  	s3 =	sld [smem:$0x3FFE];
	_ =	sdelay $0x1  }
0x8a: {  	s1 =	srdreg.scid  }
0x8b: {  	s0 =	sand.u32 $0x1, s1  }
0x8c: {  	s17 =	sshll.u32 s0, $0xA;
	s2 =	sadd.s32 s3, s2  }
0x8d: {  	s2 =	sadd.s32 s2, s17  }
0x8e: {  	[smem:$0x3FC4] =	sst s2  }
0x8f: {  	_ = 	snop  }
0x90: {  	s2 =	sld [smem:$0x3FC9]  }
0x91: {  	s18 =	sld [smem:$0x3FD0];
	(tm) =	ssettm $0x1  }
0x92: {  	s4 =	sld [smem:$0x3FFB];
	_ =	sdelay $0x3  }
0x93: {  	_ =	strace s4  }
0x94: {  	s4 =	sld [smem:$0x3FFC];
	_ =	sdelay $0x3  }
0x95: {  	_ =	strace s4  }
0x96: {  	s4 =	sld [smem:$0x3FFD];
	_ =	sdelay $0x3  }
0x97: {  	_ =	strace s4  }
0x98: {  	_ =	strace $0x8FFFFFFF  }
0x99: {  	s19 =	sld [smem:$0x3FDB];
	_ =	sdelay $0x1  }
0x9a: {  	s5 =	simm.s32 $_scs_section_size  }
0x9b: {  	s6 =	simm.s32 $_size__tile_overlayer_lowered;
	s7 =	simm.s32 $_tile_overlayer_lowered  }
0x9c: {  	s22 =	simm.s32 $0x1BFF;
	s21 =	sshll.u32 s7, $0x1;
	s4 =	sadd.s32 s5, s19  }
0x9d: {  	s8 =	simm.s32 $0x0;
	s20 =	sshll.u32 s6, $0x1;
	s6 =	sadd.s32 s21, s4  }
0x9e: {  	[timem:s8], [sflag:s22] =	dma.local [hbm:s6], s20  }
0x9f: {  	_ =	swait.ge [sflag:s22], s20  }
0xa0: {  	s5 =	ssub.s32 $0x0, s20;
	[sflag:s22] =	ssyncset.done $0x0  }
0xa1: {  	[sflag:s22] =	ssyncadd.s32 s5;
	_ =	sdelay $0x1  }
0xa2: {  	s23 =	simm.s32 $0x1B8B  }
0xa3: {  	_ =	swait.ge [sflag:s23], $0x1  }
0xa4: {  	[sflag:s23] =	ssyncset.done $0x0  }
0xa5: {  	s25 =	simm.s32 $0x1B8E;
	s24 =	sld [smem:$0x3FFE];
	[sflag:s23] =	ssyncadd.s32 $0xFFFFFFFF  }
0xa6: {  	s26 =	simm.s32 $execute0_lowered;
	[smem:$0x3FD2] =	sst s25  }
0xa7: {  	s6 =	sshll.u32 s26, $0x1;
	_ =	strace $0x80000046;
	[dreg:$0x1] =	wrdreg $0xFFFFFFFF  }
0xa8: {  	s28 =	simm.s32 $_size_execute0_lowered;
	s4 =	sadd.s32 s4, s6;
	[dreg:$0x0] =	wrdreg $0x0  }
0xa9: {  	s6 =	sshll.u32 s28, $0x1;
	[dreg:$0x2] =	wrdreg s4  }
0xaa: {  	[dreg:$0x3] =	wrdreg s6  }
0xab: {  	[dreg:$0x4] =	wrdreg $0xC0  }
0xac: {  	_ =	task [dreg:s8], $0x5FFFF  }
0xad: {  	[dreg:$0x1] =	wrdreg $0xFFFFFFFF  }
0xae: {  	[dreg:$0x0] =	wrdreg $0x60  }
0xaf: {  	[dreg:$0x2] =	wrdreg s2  }
0xb0: {  	[dreg:$0x3] =	wrdreg s18  }
0xb1: {  	[dreg:$0x4] =	wrdreg s24  }
0xb2: {  	[dreg:$0x5] =	wrdreg $0x9  }
0xb3: {  	_ =	task.clear_ibuf [dreg:s8], $0x6FFFF;
	_ =	strace $0x90000046  }
0xb4: {  	s29 =	simm.s32 $0x9;
	_ =	strace $0x80000048  }
0xb5: {  	_ =	swait.ge [sflag:s29], $0x1  }
0xb6: {  	[sflag:s29] =	ssyncadd.s32 $0xFFFFFFFF  }
0xb7: {  	_ =	strace $0x90000048  }
0xb8: {  	_ =	sfence  }
0xb9: {  	s30 =	sld [smem:$0x0];
	_ =	sdelay $0x2  }
0xba: {  	s31 =	sshll.u32 s1, $0xD;
	s1 =	sshrl.u32 s1, $0x2  }
0xbb: {  	s3 =	sand.u32 $0x4000, s31;
	s1 =	sadd.s32 s1, s30  }
0xbc: {  	s0 =	sor.u32 s3, s0;
	s1 =	sshll.u32 s1, $0x11  }
0xbd: {  	s0 =	sor.u32 s1, s0  }
0xbe: {  	s0 =	sadd.s32 $0x8F2B, s0  }
0xbf: {  	[sflag:s0] =	ssyncadd.remote.s32 $0x1  }
0xc0: {  	_ =	sfence.sel $0xFFFF  }
0xc1: {  	[dreg:$0x0] =	wrdreg $0xFFFFFFFF;
	(pc) =	sbr.abs _section_cstart, $3  }
0xc2: {  	[dreg:$0x1] =	wrdreg $0xFFFFFFFF  }
0xc3: {  	_ =	task.clear_ibuf [dreg:s8], $0x2FFFF;
	_ =	strace $0x9FFFFFFF  }
0xc4: {  	(tm) =	ssettm $0x7FFFFFFF  }
0xc5: {  	_ =	shalt  }
tec
execute0_lowered:
.L_overlay_start_1:
0x0: {  	(tag) =	ssettag $0x1  }
0x1: {  	s1 =	rddreg [dreg:$0x0]  }
0x2: {  	s9 =	rddreg [dreg:$0x2]  }
0x3: {  	s5 =	simm.s32 $0x0;
	s8 =	stileid.u32;
	s0 =	srdreg.scid  }
0x4: {  	s29 =	simm.s32 $0x80;
	s30 =	simm.s32 $0x2200;
	s12 =	simm.s32 $0x14480  }
0x5: {  	s13 =	simm.s32 $0x14C80;
	s14 =	simm.s32 $0x15480;
	s15 =	simm.s32 $0x15C80  }
0x6: {  	s16 =	simm.s32 $0x16480;
	[smem:$0x7FF] =	sst s5;
	s3 =	sadd.s32 $0x200, s9  }
0x7: {  	s18 =	sadd.s32 $0x400, s9;
	_ =	strace $0x80000047;
	[dreg:$0x4] =	wrdreg s3  }
0x8: {  	s0 =	sand.u32 $0x1, s0;
	s19 =	sadd.s32 $0x600, s9;
	[dreg:$0x5] =	wrdreg s18  }
0x9: {  	s2 =	sshll.u32 s8, $0x1;
	s6 =	sadd.s32 $0x800, s9;
	[dreg:$0x6] =	wrdreg s19  }
0xa: {  	s17 =	smul.u32 $0x18000, s8;
	s11 =	sadd.s32 $0xA00, s9;
	[dreg:$0x7] =	wrdreg s6  }
0xb: {  	s22 =	smul.u32 $0x300, s8;
	s23 =	sadd.s32 $0x10, s9;
	[dreg:$0x9] =	wrdreg s11  }
0xc: {  	s26 =	sadd.s32 $0x20, s9;
	s7 =	sor.u32 s0, s2;
	[dreg:$0xa] =	wrdreg s23  }
0xd: {  	s4 =	ssub.s32 $0x2, s0;
	s25 =	smul.u32 $0x180, s0;
	[dreg:$0xd] =	wrdreg s26  }
0xe: {  	s0 =	smul.u32 $0xC000, s0;
	s18 =	sadd.s32 $0x200, s1;
	s19 =	sadd.s32 $0x300, s1  }
0xf: {  	s11 =	simm.s32 $0x17480;
	s23 =	simm.s32 $0x19480;
	s26 =	simm.s32 $0x0  }
0x10: {  	s20 =	sshll.u32 s7, $0x3;
	s3 =	sadd.s32 s17, s9;
	s21 =	sshrl.u32 s4, $0x1  }
0x11: {  	s10 =	smul.u32 $0x180, s7;
	s17 =	sadd.s32 $0x100, s1;
	p0 =	sne.s32 s7, $0x0  }
0x12: {  	s2 =	sadd.s32 s20, s9;
	s4 =	ssub.s32 s4, s21;
	s31 =	sadd.s32 s25, s22  }
0x13: {  	s0 =	sadd.s32 s0, s3;
	s20 =	simm.s32 $0x16C80;
	[dreg:$0xf] =	wrdreg s31  }
.Ltmp0:
0x14: {  	s24 =	sadd.s32 $0x180C00, s2;
	[dreg:$0x8] =	wrdreg s10;
	(pc) =	sbr.rel .LBB2_1-.Ltmp0, $4  }
0x15: {  	s21 =	simm.s32 $0x17C80;
	s2 =	sadd.s32 $0x180E00, s2;
	[dreg:$0xb] =	wrdreg s24  }
0x16: {  	v0 =	vlaneseq.u32;
	s3 =	simm.s32 $0x18480;
	s28 =	smax.u32 s4, $0x1;
	[dreg:$0xc] =	wrdreg s2  }
0x17: {  	vm0 =	vmmov $0xffff;
	v2 =	vand.u32 $0x7, v0;
	v3 =	vshrl.u32 v0, $0x3;
	s25 =	simm.s32 $0x19C80;
	s0 =	sadd.s32 $0xC00, s0;
	[dreg:$0xe] =	wrdreg s28  }
0x18: {  	v4 =	vor.u32 $0x8, v0;
	v3 =	vmul.u32 $0x8, v3;
	v1 =	vmov s10;
	[dreg:$0x10] =	wrdreg s0;
	s24 =	simm.s32 $0x5;
	s2 =	simm.s32 $0x18C80  }
.LBB2_12:
0x19: {  	p1 =	slt.u32 s28, $0x30  }
0x1a: {  	s0 =	simm.s32 @!p1 $0x3  }
0x1b: {  	p2 =	slt.u32 @!p1 s28, $0x60;
	_ =	swait.ge @!p1 [sflag:s0], $0xC000  }
0x1c: {  	p2 =	por p2, p1;
	[sflag:s0] =	ssyncset.done @!p1 $0x0  }
0x1d: {  	[sflag:s0] =	ssyncadd.s32 @!p1 $0xFFFF4000;
	s0 =	simm.s32 @!p2 $0x4  }
0x1e: {  	_ =	swait.ge @!p2 [sflag:s0], $0xC000  }
0x1f: {  	s26 =	sadd.s32 $0x1, s26;
	s4 =	rddreg [dreg:$0xe]  }
0x20: {  	p1 =	sne.s32 s26, s4  }
.Ltmp1:
0x21: {  	_ = 	snop;
	(pc) =	sbr.rel @!p1 .LBB2_13-.Ltmp1, $3  }
0x22: {  	_ =	sdelay $0x1  }
0x23: {  	[sflag:s0] =	ssyncset.done @!p2 $0x0  }
0x24: {  	[sflag:s0] =	ssyncadd.s32 @!p2 $0xFFFF4000  }
.LBB2_1:
0x25: {  	s0 =	rddreg [dreg:$0x1];
	s4 =	simm.s32 $0x100  }
0x26: {  	[tilespmem:s4], [sflag:$0x5] =	stream.linear.gather [hbm4b:s0+s5], $0x800, $0x38;
	[tilespmem:$0x1A480] =	vst v63  }
0x27: {  	_ =	swait.ge [sflag:s24], $0x800  }
0x28: {  	[sflag:s24] =	ssyncset.done $0x0  }
0x29: {  	s28 =	simm.s32 $0x900;
	s22 =	rddreg [dreg:$0x4];
	[sflag:s24] =	ssyncadd.s32 $0xFFFFF800  }
0x2a: {  	[tilespmem:s28], [sflag:$0x5] =	stream.linear.gather [hbm4b:s22+s5], $0x800, $0x38;
	[tilespmem:$0x1A480] =	vst v63  }
0x2b: {  	_ =	swait.ge [sflag:s24], $0x800  }
0x2c: {  	[sflag:s24] =	ssyncset.done $0x0  }
0x2d: {  	s6 =	simm.s32 $0x1100;
	s4 =	rddreg [dreg:$0x5];
	[sflag:s24] =	ssyncadd.s32 $0xFFFFF800  }
0x2e: {  	[tilespmem:s6], [sflag:$0x5] =	stream.linear.gather [hbm4b:s4+s5], $0x800, $0x38;
	[tilespmem:$0x1A480] =	vst v63  }
0x2f: {  	_ =	swait.ge [sflag:s24], $0x800  }
0x30: {  	[sflag:s24] =	ssyncset.done $0x0  }
0x31: {  	s9 =	simm.s32 $0x1900;
	s8 =	rddreg [dreg:$0x6];
	[sflag:s24] =	ssyncadd.s32 $0xFFFFF800  }
0x32: {  	[tilespmem:s9], [sflag:$0x5] =	stream.linear.gather [hbm4b:s8+s5], $0x800, $0x38;
	[tilespmem:$0x1A480] =	vst v63  }
0x33: {  	_ =	swait.ge [sflag:s24], $0x800  }
0x34: {  	[sflag:s24] =	ssyncset.done $0x0  }
0x35: {  	s10 =	rddreg [dreg:$0xa];
	[sflag:s24] =	ssyncadd.s32 $0xFFFFF800  }
0x36: {  	[tilespmem:s5], [sflag:$0x5] =	stream.linear.gather [hbm4b:s10+s5], $0x80, $0x38;
	[tilespmem:$0x1A480] =	vst v63  }
0x37: {  	_ =	swait.ge [sflag:s24], $0x80  }
0x38: {  	[sflag:s24] =	ssyncset.done $0x0  }
0x39: {  	[sflag:s24] =	ssyncadd.s32 $0xFFFFFF80  }
0x3a: {  	v5 =	vld [tilespmem:$0x0]  }
0x3b: {  	v6 =	vld [tilespmem:$0x10]  }
0x3c: {  	v7 =	vld [tilespmem:$0x20]  }
0x3d: {  	v8 =	vld [tilespmem:$0x30];
	_ =	sdelay $0x1  }
0x3e: {  	v5 =	vtrunc.f32 v5  }
0x3f: {  	v6 =	vtrunc.f32 v6;
	v5 =	vcvt.f32.s32 v5  }
0x40: {  	s9 =	rddreg [dreg:$0xf];
	v7 =	vtrunc.f32 v7;
	v6 =	vcvt.f32.s32 v6  }
0x41: {  	s6 =	sadd.s32 $0x30, s9;
	v7 =	vcvt.f32.s32 v7;
	[tilespmem:$0x80] =	vst v5;
	v5 =	vtrunc.f32 v8  }
0x42: {  	s22 =	sadd.s32 $0x10, s9;
	s28 =	sadd.s32 $0x20, s9;
	v9 =	vor.u32 s6, v0;
	[tilespmem:$0x90] =	vst v6;
	v6 =	vcvt.f32.s32 v5  }
0x43: {  	[tilespmem:$0xA0] =	vst v7;
	v7 =	vor.u32 s22, v0;
	v8 =	vor.u32 s28, v0;
	v5 =	vor.u32 s9, v0  }
0x44: {  	s31 =	simm.s32 $0x0;
	s8 =	simm.s32 $0x2220;
	s10 =	simm.s32 $0x2220;
	[tilespmem:$0xB0] =	vst v6;
	v6 =	vand.u32 $0x7FF, v7;
	v7 =	vand.u32 $0x7FF, v8;
	v8 =	vand.u32 $0x7FF, v9  }
.LBB2_2:
0x45: {  	s31 =	sadd.s32 $0x4, s31  }
0x46: {  	v5 =	vand.u32 $0x7CF, v5;
	[tilespmem:s8+$0x10] =	vst v8;
	s9 =	sadd.s32 $0x40, s9;
	s10 =	sadd.s32 $0x40, s10;
	p1 =	slt.u32 s31, $0x14  }
.Ltmp2:
0x47: {  	[tilespmem:s8+$0xFFFFFFE0] =	vst v5;
	(pc) =	sbr.rel @p1 .LBB2_2-.Ltmp2, $4  }
0x48: {  	[tilespmem:s8+$0x0] =	vst v7  }
0x49: {  	v5 =	vor.u32 s9, v0;
	s0 =	sadd.s32 $0x10, s9;
	s4 =	sadd.s32 $0x20, s9;
	s6 =	sadd.s32 $0x30, s9;
	[tilespmem:s8+$0xFFFFFFF0] =	vst v6  }
0x4a: {  	v7 =	vor.u32 s4, v0;
	v8 =	vor.u32 s6, v0;
	s4 =	simm.s32 $0x1900;
	v6 =	vor.u32 s0, v0;
	s0 =	simm.s32 $0x900;
	s8 =	smov.u32 s10  }
0x4b: {  	s22 =	simm.s32 $0x100;
	s28 =	simm.s32 $0x1100;
	s6 =	simm.s32 $0x0;
	v7 =	vand.u32 $0x7FF, v7;
	v8 =	vand.u32 $0x7FF, v8;
	v6 =	vand.u32 $0x7FF, v6  }
0x4c: {  	[tilespmem:s8+$0x10] =	vst v8  }
0x4d: {  	[tilespmem:s8+$0x0] =	vst v7  }
0x4e: {  	v5 =	vand.u32 $0x7CF, v5;
	[tilespmem:s8+$0xFFFFFFF0] =	vst v6  }
0x4f: {  	s31 =	simm.s32 $0x0;
	[tilespmem:s8+$0xFFFFFFE0] =	vst v5  }
.LBB2_4:
0x50: {  	v5 =	vld [tilespmem:s22+$0x0];
	_ =	sdelay $0x4  }
0x51: {  	v5 =	vtrunc.f32 v5  }
0x52: {  	v5 =	vcvt.f32.s32 v5;
	_ =	sdelay $0x2  }
0x53: {  	v6 =	vld [tilespmem:s28+$0x0];
	_ =	sdelay $0x2  }
0x54: {  	v5 =	vld.idx.msk [tilespmem:v5+s29+$0x0], $0xffff;
	_ =	sdelay $0x1  }
0x55: {  	v6 =	vtrunc.f32 v6  }
0x56: {  	v6 =	vcvt.f32.s32 v6;
	_ =	sdelay $0x1  }
0x57: {  	v5 =	vadd.s32 v6, v5  }
0x58: {  	v6 =	vsub.s32 v5, v1  }
0x59: {  	v7 =	vand.u32 $0x7F, v5;
	vm1 =	vlt.u32 v6, $0x180;
	v6 =	vand.u32 $0xFFFFFF80, v6  }
0x5a: {  	v6 =	vor.u32 v7, v6;
	_ =	sdelay $0x3  }
0x5b: {  	v7 =	vor.u32 s6, v0  }
0x5c: {  	[tilespmem:v6+s30+$0x0] =	vst.idx.msk vm1, v7  }
0x5d: {  	v6 =	vld [tilespmem:s0+$0x0];
	_ =	sdelay $0x4  }
0x5e: {  	v6 =	vtrunc.f32 v6  }
0x5f: {  	v6 =	vcvt.f32.s32 v6;
	_ =	sdelay $0x2  }
0x60: {  	v8 =	vld [tilespmem:s4+$0x0];
	_ =	sdelay $0x2  }
0x61: {  	v6 =	vld.idx.msk [tilespmem:v6+s29+$0x0], $0xffff;
	_ =	sdelay $0x1  }
0x62: {  	v8 =	vtrunc.f32 v8  }
0x63: {  	v8 =	vcvt.f32.s32 v8;
	_ =	sdelay $0x1  }
0x64: {  	v6 =	vadd.s32 v8, v6  }
0x65: {  	v8 =	vsub.s32 v6, v1  }
0x66: {  	v9 =	vand.u32 $0x7F, v6;
	vm1 =	vlt.u32 v8, $0x180;
	v8 =	vand.u32 $0xFFFFFF80, v8  }
0x67: {  	v8 =	vor.u32 v9, v8  }
0x68: {  	s8 =	sshrl.u32 s31, $0x2;
	s31 =	sadd.s32 $0x1, s31  }
0x69: {  	p2 =	sne.s32 s31, $0x80  }
.Ltmp3:
0x6a: {  	_ = 	snop;
	(pc) =	sbr.rel @p2 .LBB2_4-.Ltmp3, $4  }
0x6b: {  	p1 =	sne.s32 s8, s7  }
0x6c: {  	s8 =	sand.u32 @!p1 $0x30, s6;
	[tilespmem:v8+s30+$0x0] =	vst.idx.msk vm1, v7  }
0x6d: {  	s22 =	sadd.s32 $0x10, s22;
	s28 =	sadd.s32 $0x10, s28;
	[tilespmem:s8+$0x2100] =	vst @!p1 v5  }
0x6e: {  	s6 =	sadd.s32 $0x10, s6;
	s0 =	sadd.s32 $0x10, s0;
	s4 =	sadd.s32 $0x10, s4;
	[tilespmem:s8+$0x2180] =	vst @!p1 v6  }
0x6f: {  	s0 =	rddreg [dreg:$0xb];
	s4 =	simm.s32 $0x2100  }
0x70: {  	[hbm4b:s0+s5] =	stream.linear.scatter [tilespmem:s4], [sflag:$0x5], $0x40, $0x38;
	[tilespmem:$0x1A480] =	vst v63  }
0x71: {  	_ =	swait.ge [sflag:s24], $0x40  }
0x72: {  	[sflag:s24] =	ssyncset.done $0x0  }
0x73: {  	s10 =	simm.s32 $0x2180;
	s9 =	rddreg [dreg:$0xc];
	[sflag:s24] =	ssyncadd.s32 $0xFFFFFFC0  }
0x74: {  	[hbm4b:s9+s5] =	stream.linear.scatter [tilespmem:s10], [sflag:$0x5], $0x40, $0x38;
	[tilespmem:$0x1A480] =	vst v63  }
0x75: {  	_ =	swait.ge [sflag:s24], $0x40  }
0x76: {  	[sflag:s24] =	ssyncset.done $0x0  }
0x77: {  	[sflag:s24] =	ssyncadd.s32 $0xFFFFFFC0  }
0x78: {  	s0 =	simm.s32 @!p0 $0x0;
	s4 =	rddreg [dreg:$0x2]  }
0x79: {  	[tilespmem:s0], [sflag:$0x5] =	stream.linear.gather @!p0 [hbm4b:s4+s0], $0x80, $0x38;
	[tilespmem:$0x1A480] =	vst v63  }
0x7a: {  	s4 =	simm.s32 @!p0 $0x5  }
0x7b: {  	_ =	swait.ge @!p0 [sflag:s4], $0x80  }
0x7c: {  	[sflag:s4] =	ssyncset.done @!p0 $0x0  }
0x7d: {  	[sflag:s4] =	ssyncadd.s32 @!p0 $0xFFFFFF80  }
0x7e: {  	v5 =	vld @!p0 [tilespmem:$0x0]  }
0x7f: {  	v6 =	vld @!p0 [tilespmem:$0x10]  }
0x80: {  	v7 =	vld @!p0 [tilespmem:$0x20]  }
0x81: {  	v8 =	vld @!p0 [tilespmem:$0x30]  }
0x82: {  	v9 =	vld @!p0 [tilespmem:$0x40]  }
0x83: {  	v10 =	vld @!p0 [tilespmem:$0x50];
	v5 =	vtrunc.f32 @!p0 v5  }
0x84: {  	v6 =	vtrunc.f32 @!p0 v6;
	v5 =	vcvt.f32.s32 @!p0 v5  }
0x85: {  	v7 =	vtrunc.f32 @!p0 v7;
	v6 =	vcvt.f32.s32 @!p0 v6  }
0x86: {  	[tilespmem:$0x2380] =	vst @!p0 v5;
	v5 =	vcvt.f32.s32 @!p0 v7;
	v7 =	vtrunc.f32 @!p0 v8  }
0x87: {  	[tilespmem:$0x2390] =	vst @!p0 v6;
	v6 =	vcvt.f32.s32 @!p0 v7;
	v7 =	vtrunc.f32 @!p0 v9  }
0x88: {  	[tilespmem:$0x23A0] =	vst @!p0 v5;
	v5 =	vcvt.f32.s32 @!p0 v7;
	v7 =	vtrunc.f32 @!p0 v10  }
0x89: {  	[tilespmem:$0x23B0] =	vst @!p0 v6;
	v6 =	vcvt.f32.s32 @!p0 v7  }
0x8a: {  	[tilespmem:$0x23C0] =	vst @!p0 v5  }
0x8b: {  	s6 =	simm.s32 @!p0 $0x2380;
	s8 =	rddreg [dreg:$0x7];
	[tilespmem:$0x23D0] =	vst @!p0 v6  }
0x8c: {  	[hbm4b:s8+s0] =	stream.linear.scatter @!p0 [tilespmem:s6], [sflag:$0x5], $0x80, $0x38;
	[tilespmem:$0x1A480] =	vst v63  }
0x8d: {  	_ =	swait.ge @!p0 [sflag:s4], $0x80  }
0x8e: {  	[sflag:s4] =	ssyncset.done @!p0 $0x0  }
0x8f: {  	s22 =	rddreg [dreg:$0xd];
	[sflag:s4] =	ssyncadd.s32 @!p0 $0xFFFFFF80  }
0x90: {  	[tilespmem:s5], [sflag:$0x5] =	stream.linear.gather [hbm4b:s22+s5], $0x80, $0x38;
	[tilespmem:$0x1A480] =	vst v63  }
0x91: {  	_ =	swait.ge [sflag:s24], $0x80  }
0x92: {  	[sflag:s24] =	ssyncset.done $0x0  }
0x93: {  	[sflag:s24] =	ssyncadd.s32 $0xFFFFFF80  }
0x94: {  	v5 =	vld [tilespmem:$0x0];
	_ =	sdelay $0x4  }
0x95: {  	(v2sf) =	vpush v5, $0x0;
	_ =	sdelay $0xe  }
0x96: {  	s8 =	spop (v2sf)  }
0x97: {  	s6 =	scvt.f32.s32 s8;
	_ =	sdelay $0x1  }
0x98: {  	s9 =	rddreg [dreg:$0x8];
	s6 =	sshll.u32 s6, $0x7  }
0x99: {  	s6 =	ssub.s32 s6, s9  }
0x9a: {  	p1 =	sgt.s32 s6, $0x0  }
0x9b: {  	v5 =	vtrunc.f32 @!p0 v5;
	s6 =	simm.s32 @!p1 $0x0  }
0x9c: {  	v5 =	vcvt.f32.s32 @!p0 v5;
	s6 =	smin.u32 s6, $0x180  }
0x9d: {  	s28 =	sor.u32 $0x20, s6  }
0x9e: {  	[tilespmem:$0x2400] =	vst @!p0 v5;
	s9 =	rddreg [dreg:$0x9];
	s6 =	simm.s32 @!p0 $0x2400;
	s10 =	smul.u32 $0x556, s28  }
0x9f: {  	[hbm4b:s9+s0] =	stream.linear.scatter @!p0 [tilespmem:s6], [sflag:$0x5], $0x80, $0x38;
	[tilespmem:$0x1A480] =	vst v63  }
0xa0: {  	s31 =	sshrl.u32 s10, $0x10  }
0xa1: {  	s22 =	sadd.s32 $0x1, s31  }
0xa2: {  	s0 =	sshrl.u32 s22, $0x1  }
0xa3: {  	p1 =	seq.s32 s0, $0x0  }
.Ltmp4:
0xa4: {  	_ = 	snop;
	(pc) =	sbr.rel @p1 .LBB2_12-.Ltmp4, $4  }
0xa5: {  	_ = 	snop  }
0xa6: {  	_ =	swait.ge @!p0 [sflag:s4], $0x80  }
0xa7: {  	[sflag:s4] =	ssyncset.done @!p0 $0x0  }
0xa8: {  	[sflag:s4] =	ssyncadd.s32 @!p0 $0xFFFFFF80  }
.Ltmp5:
0xa9: {  	(pc) =	sbr.rel .LBB2_7-.Ltmp5, $3  }
0xaa: {  	_ =	sdelay $0x1  }
0xab: {  	s0 =	sshll.u32 s0, $0x1  }
0xac: {  	s4 =	simm.s32 $0x0;
	s22 =	simm.s32 $0x2230;
	s6 =	rddreg [dreg:$0x10]  }
.LBB2_11:
0xad: {  	s8 =	simm.s32 @!p1 $0x1  }
0xae: {  	_ =	swait.ge @!p1 [sflag:s8], $0xC000  }
0xaf: {  	s9 =	simm.s32 @!p1 $0x2480;
	[sflag:s8] =	ssyncset.done @!p1 $0x0  }
0xb0: {  	s4 =	sadd.s32 $0x2, s4;
	[sflag:s8] =	ssyncadd.s32 @!p1 $0xFFFF4000;
	s8 =	simm.s32 @!p1 $0x0  }
0xb1: {  	[hbm4b:s6+s8] =	stream.linear.scatter @!p1 [tilespmem:s9], [sflag:$0x3], $0xC000, $0x38;
	[tilespmem:$0x1A480] =	vst v63  }
0xb2: {  	p1 =	sne.s32 s0, s4  }
.Ltmp6:
0xb3: {  	s8 =	simm.s32 @!p2 $0x2;
	(pc) =	sbr.rel @!p1 .LBB2_12-.Ltmp6, $4  }
0xb4: {  	s10 =	simm.s32 @!p2 $0xE480;
	_ =	swait.ge @!p2 [sflag:s8], $0xC000  }
0xb5: {  	s22 =	sadd.s32 $0x60, s22;
	s9 =	simm.s32 @!p2 $0x0;
	[sflag:s8] =	ssyncset.done @!p2 $0x0  }
0xb6: {  	[sflag:s8] =	ssyncadd.s32 @!p2 $0xFFFF4000;
	s8 =	sadd.s32 @!p2 $0x1800, s6;
	s6 =	sadd.s32 $0x3000, s6  }
0xb7: {  	[hbm4b:s8+s9] =	stream.linear.scatter @!p2 [tilespmem:s10], [sflag:$0x4], $0xC000, $0x38;
	[tilespmem:$0x1A480] =	vst v63  }
.LBB2_7:
0xb8: {  	p2 =	seq.s32 s4, $0x0  }
0xb9: {  	p1 =	sge.u32 @!p2 s4, s31  }
0xba: {  	p3 =	por p1, p2;
	p1 =	sge.u32 s4, s31  }
.Ltmp7:
0xbb: {  	_ = 	snop;
	(pc) =	sbr.rel @p1 .LBB2_9-.Ltmp7, $4  }
0xbc: {  	s8 =	simm.s32 @!p3 $0x3  }
0xbd: {  	_ =	swait.ge @!p3 [sflag:s8], $0xC000  }
0xbe: {  	[sflag:s8] =	ssyncset.done @!p3 $0x0  }
0xbf: {  	[sflag:s8] =	ssyncadd.s32 @!p3 $0xFFFF4000  }
0xc0: {  	v5 =	vld [tilespmem:s22+$0xFFFFFFD0];
	_ =	sdelay $0x4  }
0xc1: {  	v6 =	vshll.u32 v5, $0x3  }
0xc2: {  	v5 =	vand.u32 $0x7, v5;
	v6 =	vand.u32 $0xFFFFFFC0, v6  }
0xc3: {  	v5 =	vor.u32 v5, v6  }
0xc4: {  	v6 =	vperm.xlane v5, v2;
	_ =	sdelay $0x1  }
0xc5: {  	v6 =	vadd.s32 v3, v6;
	_ =	sdelay $0x3  }
0xc6: {  	s8 =	simm.s32 $0x2480  }
0xc7: {  	[tilespmem:s8], [sflag:$0x1] =	stream.indirect_vreg.gather [hbm4b:s1+s5], $0x80, v6, vm0, $0xb8;
	[tilespmem:$0x1A480] =	vst v63  }
0xc8: {  	s10 =	simm.s32 $0x2C80;
	v5 =	vperm.xlane v5, v4  }
0xc9: {  	[tilespmem:s10], [sflag:$0x1] =	stream.indirect_vreg.gather [hbm4b:s17+s5], $0x80, v6, vm0, $0xb8;
	[tilespmem:$0x1A480] =	vst v63  }
0xca: {  	s9 =	simm.s32 $0x3480;
	v5 =	vadd.s32 v3, v5  }
0xcb: {  	[tilespmem:s9], [sflag:$0x1] =	stream.indirect_vreg.gather [hbm4b:s18+s5], $0x80, v6, vm0, $0xb8;
	[tilespmem:$0x1A480] =	vst v63  }
0xcc: {  	s10 =	simm.s32 $0x3C80  }
0xcd: {  	[tilespmem:s10], [sflag:$0x1] =	stream.indirect_vreg.gather [hbm4b:s19+s5], $0x80, v6, vm0, $0xb8;
	[tilespmem:$0x1A480] =	vst v63  }
0xce: {  	s9 =	simm.s32 $0x4480  }
0xcf: {  	[tilespmem:s9], [sflag:$0x1] =	stream.indirect_vreg.gather [hbm4b:s1+s5], $0x80, v5, vm0, $0xb8;
	[tilespmem:$0x1A480] =	vst v63  }
0xd0: {  	s10 =	simm.s32 $0x4C80  }
0xd1: {  	[tilespmem:s10], [sflag:$0x1] =	stream.indirect_vreg.gather [hbm4b:s17+s5], $0x80, v5, vm0, $0xb8;
	[tilespmem:$0x1A480] =	vst v63  }
0xd2: {  	s9 =	simm.s32 $0x5480  }
0xd3: {  	[tilespmem:s9], [sflag:$0x1] =	stream.indirect_vreg.gather [hbm4b:s18+s5], $0x80, v5, vm0, $0xb8;
	[tilespmem:$0x1A480] =	vst v63  }
0xd4: {  	s10 =	simm.s32 $0x5C80  }
0xd5: {  	[tilespmem:s10], [sflag:$0x1] =	stream.indirect_vreg.gather [hbm4b:s19+s5], $0x80, v5, vm0, $0xb8;
	[tilespmem:$0x1A480] =	vst v63  }
0xd6: {  	v5 =	vld [tilespmem:s22+$0xFFFFFFE0];
	_ =	sdelay $0x4  }
0xd7: {  	v6 =	vshll.u32 v5, $0x3  }
0xd8: {  	v5 =	vand.u32 $0x7, v5;
	v6 =	vand.u32 $0xFFFFFFC0, v6  }
0xd9: {  	v5 =	vor.u32 v5, v6  }
0xda: {  	v6 =	vperm.xlane v5, v2;
	_ =	sdelay $0x1  }
0xdb: {  	v6 =	vadd.s32 v3, v6;
	_ =	sdelay $0x3  }
0xdc: {  	s9 =	simm.s32 $0x6480  }
0xdd: {  	[tilespmem:s9], [sflag:$0x1] =	stream.indirect_vreg.gather [hbm4b:s1+s5], $0x80, v6, vm0, $0xb8;
	[tilespmem:$0x1A480] =	vst v63  }
0xde: {  	s10 =	simm.s32 $0x6C80;
	v5 =	vperm.xlane v5, v4  }
0xdf: {  	[tilespmem:s10], [sflag:$0x1] =	stream.indirect_vreg.gather [hbm4b:s17+s5], $0x80, v6, vm0, $0xb8;
	[tilespmem:$0x1A480] =	vst v63  }
0xe0: {  	v5 =	vadd.s32 v3, v5;
	s9 =	simm.s32 $0x7480  }
0xe1: {  	[tilespmem:s9], [sflag:$0x1] =	stream.indirect_vreg.gather [hbm4b:s18+s5], $0x80, v6, vm0, $0xb8;
	[tilespmem:$0x1A480] =	vst v63  }
0xe2: {  	s10 =	simm.s32 $0x7C80  }
0xe3: {  	[tilespmem:s10], [sflag:$0x1] =	stream.indirect_vreg.gather [hbm4b:s19+s5], $0x80, v6, vm0, $0xb8;
	[tilespmem:$0x1A480] =	vst v63  }
0xe4: {  	s9 =	simm.s32 $0x8480  }
0xe5: {  	[tilespmem:s9], [sflag:$0x1] =	stream.indirect_vreg.gather [hbm4b:s1+s5], $0x80, v5, vm0, $0xb8;
	[tilespmem:$0x1A480] =	vst v63  }
0xe6: {  	s10 =	simm.s32 $0x8C80  }
0xe7: {  	[tilespmem:s10], [sflag:$0x1] =	stream.indirect_vreg.gather [hbm4b:s17+s5], $0x80, v5, vm0, $0xb8;
	[tilespmem:$0x1A480] =	vst v63  }
0xe8: {  	s9 =	simm.s32 $0x9480  }
0xe9: {  	[tilespmem:s9], [sflag:$0x1] =	stream.indirect_vreg.gather [hbm4b:s18+s5], $0x80, v5, vm0, $0xb8;
	[tilespmem:$0x1A480] =	vst v63  }
0xea: {  	s10 =	simm.s32 $0x9C80  }
0xeb: {  	[tilespmem:s10], [sflag:$0x1] =	stream.indirect_vreg.gather [hbm4b:s19+s5], $0x80, v5, vm0, $0xb8;
	[tilespmem:$0x1A480] =	vst v63  }
0xec: {  	v5 =	vld [tilespmem:s22+$0xFFFFFFF0];
	_ =	sdelay $0x4  }
0xed: {  	v6 =	vshll.u32 v5, $0x3  }
0xee: {  	v5 =	vand.u32 $0x7, v5;
	v6 =	vand.u32 $0xFFFFFFC0, v6  }
0xef: {  	v5 =	vor.u32 v5, v6  }
0xf0: {  	v6 =	vperm.xlane v5, v2;
	_ =	sdelay $0x1  }
0xf1: {  	v6 =	vadd.s32 v3, v6;
	_ =	sdelay $0x3  }
0xf2: {  	s9 =	simm.s32 $0xA480  }
0xf3: {  	[tilespmem:s9], [sflag:$0x1] =	stream.indirect_vreg.gather [hbm4b:s1+s5], $0x80, v6, vm0, $0xb8;
	[tilespmem:$0x1A480] =	vst v63  }
0xf4: {  	s10 =	simm.s32 $0xAC80;
	v5 =	vperm.xlane v5, v4  }
0xf5: {  	[tilespmem:s10], [sflag:$0x1] =	stream.indirect_vreg.gather [hbm4b:s17+s5], $0x80, v6, vm0, $0xb8;
	[tilespmem:$0x1A480] =	vst v63  }
0xf6: {  	v5 =	vadd.s32 v3, v5;
	s9 =	simm.s32 $0xB480  }
0xf7: {  	[tilespmem:s9], [sflag:$0x1] =	stream.indirect_vreg.gather [hbm4b:s18+s5], $0x80, v6, vm0, $0xb8;
	[tilespmem:$0x1A480] =	vst v63  }
0xf8: {  	s10 =	simm.s32 $0xBC80  }
0xf9: {  	[tilespmem:s10], [sflag:$0x1] =	stream.indirect_vreg.gather [hbm4b:s19+s5], $0x80, v6, vm0, $0xb8;
	[tilespmem:$0x1A480] =	vst v63  }
0xfa: {  	s9 =	simm.s32 $0xC480  }
0xfb: {  	[tilespmem:s9], [sflag:$0x1] =	stream.indirect_vreg.gather [hbm4b:s1+s5], $0x80, v5, vm0, $0xb8;
	[tilespmem:$0x1A480] =	vst v63  }
0xfc: {  	s10 =	simm.s32 $0xCC80  }
0xfd: {  	[tilespmem:s10], [sflag:$0x1] =	stream.indirect_vreg.gather [hbm4b:s17+s5], $0x80, v5, vm0, $0xb8;
	[tilespmem:$0x1A480] =	vst v63  }
0xfe: {  	s9 =	simm.s32 $0xD480  }
0xff: {  	[tilespmem:s9], [sflag:$0x1] =	stream.indirect_vreg.gather [hbm4b:s18+s5], $0x80, v5, vm0, $0xb8;
	[tilespmem:$0x1A480] =	vst v63  }
0x100: {  	s10 =	simm.s32 $0xDC80  }
0x101: {  	[tilespmem:s10], [sflag:$0x1] =	stream.indirect_vreg.gather [hbm4b:s19+s5], $0x80, v5, vm0, $0xb8;
	[tilespmem:$0x1A480] =	vst v63  }
.LBB2_9:
0x102: {  	s8 =	sadd.s32 $0x1, s4  }
0x103: {  	p3 =	sge.u32 @!p2 s8, s31  }
0x104: {  	p3 =	por p3, p2;
	p2 =	sge.u32 s8, s31  }
.Ltmp8:
0x105: {  	_ = 	snop;
	(pc) =	sbr.rel @p2 .LBB2_11-.Ltmp8, $4  }
0x106: {  	s9 =	simm.s32 @!p3 $0x4  }
0x107: {  	_ =	swait.ge @!p3 [sflag:s9], $0xC000  }
0x108: {  	[sflag:s9] =	ssyncset.done @!p3 $0x0  }
0x109: {  	[sflag:s9] =	ssyncadd.s32 @!p3 $0xFFFF4000  }
0x10a: {  	v5 =	vld [tilespmem:s22+$0x0];
	_ =	sdelay $0x4  }
0x10b: {  	v6 =	vshll.u32 v5, $0x3  }
0x10c: {  	v5 =	vand.u32 $0x7, v5;
	v6 =	vand.u32 $0xFFFFFFC0, v6  }
0x10d: {  	v5 =	vor.u32 v5, v6  }
0x10e: {  	v6 =	vperm.xlane v5, v2;
	_ =	sdelay $0x1  }
0x10f: {  	v6 =	vadd.s32 v3, v6;
	_ =	sdelay $0x3  }
0x110: {  	s8 =	simm.s32 $0xE480  }
0x111: {  	[tilespmem:s8], [sflag:$0x2] =	stream.indirect_vreg.gather [hbm4b:s1+s5], $0x80, v6, vm0, $0xb8;
	[tilespmem:$0x1A480] =	vst v63  }
0x112: {  	s10 =	simm.s32 $0xEC80;
	v5 =	vperm.xlane v5, v4  }
0x113: {  	[tilespmem:s10], [sflag:$0x2] =	stream.indirect_vreg.gather [hbm4b:s17+s5], $0x80, v6, vm0, $0xb8;
	[tilespmem:$0x1A480] =	vst v63  }
0x114: {  	s9 =	simm.s32 $0xF480;
	v5 =	vadd.s32 v3, v5  }
0x115: {  	[tilespmem:s9], [sflag:$0x2] =	stream.indirect_vreg.gather [hbm4b:s18+s5], $0x80, v6, vm0, $0xb8;
	[tilespmem:$0x1A480] =	vst v63  }
0x116: {  	s10 =	simm.s32 $0xFC80  }
0x117: {  	[tilespmem:s10], [sflag:$0x2] =	stream.indirect_vreg.gather [hbm4b:s19+s5], $0x80, v6, vm0, $0xb8;
	[tilespmem:$0x1A480] =	vst v63  }
0x118: {  	s9 =	simm.s32 $0x10480  }
0x119: {  	[tilespmem:s9], [sflag:$0x2] =	stream.indirect_vreg.gather [hbm4b:s1+s5], $0x80, v5, vm0, $0xb8;
	[tilespmem:$0x1A480] =	vst v63  }
0x11a: {  	s10 =	simm.s32 $0x10C80  }
0x11b: {  	[tilespmem:s10], [sflag:$0x2] =	stream.indirect_vreg.gather [hbm4b:s17+s5], $0x80, v5, vm0, $0xb8;
	[tilespmem:$0x1A480] =	vst v63  }
0x11c: {  	s9 =	simm.s32 $0x11480  }
0x11d: {  	[tilespmem:s9], [sflag:$0x2] =	stream.indirect_vreg.gather [hbm4b:s18+s5], $0x80, v5, vm0, $0xb8;
	[tilespmem:$0x1A480] =	vst v63  }
0x11e: {  	s10 =	simm.s32 $0x11C80  }
0x11f: {  	[tilespmem:s10], [sflag:$0x2] =	stream.indirect_vreg.gather [hbm4b:s19+s5], $0x80, v5, vm0, $0xb8;
	[tilespmem:$0x1A480] =	vst v63  }
0x120: {  	v5 =	vld [tilespmem:s22+$0x10];
	_ =	sdelay $0x4  }
0x121: {  	v6 =	vshll.u32 v5, $0x3  }
0x122: {  	v5 =	vand.u32 $0x7, v5;
	v6 =	vand.u32 $0xFFFFFFC0, v6  }
0x123: {  	v5 =	vor.u32 v5, v6  }
0x124: {  	v6 =	vperm.xlane v5, v2;
	_ =	sdelay $0x1  }
0x125: {  	v6 =	vadd.s32 v3, v6;
	_ =	sdelay $0x3  }
0x126: {  	s9 =	simm.s32 $0x12480  }
0x127: {  	[tilespmem:s9], [sflag:$0x2] =	stream.indirect_vreg.gather [hbm4b:s1+s5], $0x80, v6, vm0, $0xb8;
	[tilespmem:$0x1A480] =	vst v63  }
0x128: {  	s10 =	simm.s32 $0x12C80;
	v5 =	vperm.xlane v5, v4  }
0x129: {  	[tilespmem:s10], [sflag:$0x2] =	stream.indirect_vreg.gather [hbm4b:s17+s5], $0x80, v6, vm0, $0xb8;
	[tilespmem:$0x1A480] =	vst v63  }
0x12a: {  	v5 =	vadd.s32 v3, v5;
	s9 =	simm.s32 $0x13480  }
0x12b: {  	[tilespmem:s9], [sflag:$0x2] =	stream.indirect_vreg.gather [hbm4b:s18+s5], $0x80, v6, vm0, $0xb8;
	[tilespmem:$0x1A480] =	vst v63  }
0x12c: {  	s10 =	simm.s32 $0x13C80  }
0x12d: {  	[tilespmem:s10], [sflag:$0x2] =	stream.indirect_vreg.gather [hbm4b:s19+s5], $0x80, v6, vm0, $0xb8;
	[tilespmem:$0x1A480] =	vst v63  }
0x12e: {  	_ = 	snop  }
0x12f: {  	[tilespmem:s12], [sflag:$0x2] =	stream.indirect_vreg.gather [hbm4b:s1+s5], $0x80, v5, vm0, $0xb8;
	[tilespmem:$0x1A480] =	vst v63  }
0x130: {  	_ = 	snop  }
0x131: {  	[tilespmem:s13], [sflag:$0x2] =	stream.indirect_vreg.gather [hbm4b:s17+s5], $0x80, v5, vm0, $0xb8;
	[tilespmem:$0x1A480] =	vst v63  }
0x132: {  	_ = 	snop  }
0x133: {  	[tilespmem:s14], [sflag:$0x2] =	stream.indirect_vreg.gather [hbm4b:s18+s5], $0x80, v5, vm0, $0xb8;
	[tilespmem:$0x1A480] =	vst v63  }
0x134: {  	_ = 	snop  }
0x135: {  	[tilespmem:s15], [sflag:$0x2] =	stream.indirect_vreg.gather [hbm4b:s19+s5], $0x80, v5, vm0, $0xb8;
	[tilespmem:$0x1A480] =	vst v63  }
0x136: {  	v5 =	vld [tilespmem:s22+$0x20];
	_ =	sdelay $0x4  }
0x137: {  	v6 =	vshll.u32 v5, $0x3  }
0x138: {  	v5 =	vand.u32 $0x7, v5;
	v6 =	vand.u32 $0xFFFFFFC0, v6  }
0x139: {  	v5 =	vor.u32 v5, v6  }
0x13a: {  	v6 =	vperm.xlane v5, v2;
	_ =	sdelay $0x1  }
0x13b: {  	v6 =	vadd.s32 v3, v6;
	_ =	sdelay $0x4  }
0x13c: {  	[tilespmem:s16], [sflag:$0x2] =	stream.indirect_vreg.gather [hbm4b:s1+s5], $0x80, v6, vm0, $0xb8;
	[tilespmem:$0x1A480] =	vst v63  }
0x13d: {  	v5 =	vperm.xlane v5, v4  }
0x13e: {  	[tilespmem:s20], [sflag:$0x2] =	stream.indirect_vreg.gather [hbm4b:s17+s5], $0x80, v6, vm0, $0xb8;
	[tilespmem:$0x1A480] =	vst v63  }
0x13f: {  	v5 =	vadd.s32 v3, v5  }
0x140: {  	[tilespmem:s11], [sflag:$0x2] =	stream.indirect_vreg.gather [hbm4b:s18+s5], $0x80, v6, vm0, $0xb8;
	[tilespmem:$0x1A480] =	vst v63  }
0x141: {  	_ = 	snop  }
0x142: {  	[tilespmem:s21], [sflag:$0x2] =	stream.indirect_vreg.gather [hbm4b:s19+s5], $0x80, v6, vm0, $0xb8;
	[tilespmem:$0x1A480] =	vst v63  }
0x143: {  	_ = 	snop  }
0x144: {  	[tilespmem:s3], [sflag:$0x2] =	stream.indirect_vreg.gather [hbm4b:s1+s5], $0x80, v5, vm0, $0xb8;
	[tilespmem:$0x1A480] =	vst v63  }
0x145: {  	_ = 	snop  }
0x146: {  	[tilespmem:s2], [sflag:$0x2] =	stream.indirect_vreg.gather [hbm4b:s17+s5], $0x80, v5, vm0, $0xb8;
	[tilespmem:$0x1A480] =	vst v63  }
.Ltmp9:
0x147: {  	_ = 	snop;
	(pc) =	sbr.rel .LBB2_11-.Ltmp9, $4  }
0x148: {  	_ = 	snop  }
0x149: {  	[tilespmem:s23], [sflag:$0x2] =	stream.indirect_vreg.gather [hbm4b:s18+s5], $0x80, v5, vm0, $0xb8;
	[tilespmem:$0x1A480] =	vst v63  }
0x14a: {  	_ = 	snop  }
0x14b: {  	[tilespmem:s25], [sflag:$0x2] =	stream.indirect_vreg.gather [hbm4b:s19+s5], $0x80, v5, vm0, $0xb8;
	[tilespmem:$0x1A480] =	vst v63  }
.LBB2_13:
0x14c: {  	_ =	sfence.sel $0x180000  }
0x14d: {  	[bflag:$0x0] =	sbarrier.arrive $0xFFFF  }
0x14e: {  	_ =	strace $0x90000047  }
0x14f: {  	s0 =	stileid.u32;
	[bflag:$0x2] =	sbarrier.arrive $0xFFFF  }
0x150: {  	p0 =	sne.s32 s0, $0x0;
	s0 =	rddreg [dreg:$0x3]  }
0x151: {  	s0 =	sadd.s32 @!p0 $0x100000, s0  }
0x152: {  	[sflag:s0] =	ssyncadd.tile.s32 @!p0 $0x1;
	_ =	shalt  }
.Lfunc_end2:
_tile_overlayer_lowered:
.L_overlay_start_2:
0x153: {  	(tag) =	ssettag $0x2  }
0x154: {  	s0 =	rddreg [dreg:$0x0];
	s2 =	stileid.u32  }
0x155: {  	s1 =	rddreg [dreg:$0x1];
	p0 =	sne.s32 s2, $0x0  }
0x156: {  	s3 =	rddreg [dreg:$0x2];
	[bflag:$0x3] =	sbarrier.arrive $0xFFFF;
	s2 =	simm.s32 @!p0 $0x1C05  }
0x157: {  	[timem:s3], [sflag:s2] =	dma.local @!p0 [hbm:s0], s1  }
0x158: {  	s0 =	simm.s32 @!p0 $0x5  }
0x159: {  	_ =	swait.ge @!p0 [sflag:s0], s1  }
0x15a: {  	s1 =	ssub.s32 @!p0 $0x0, s1;
	[sflag:s0] =	ssyncset.done @!p0 $0x0  }
0x15b: {  	[sflag:s0] =	ssyncadd.s32 @!p0 s1  }
0x15c: {  	[bflag:$0x3] =	sbarrier.arrive $0xFFFF  }
0x15d: {  	_ =	shalt  }

// kernel: kernel.9.cloned.1.call-start
scs
__scs_entry_jumppad:
0x0: {  	(pc) =	sbr.rel $0x88, $3  }
0x1: {  	(tag) =	ssettag $0x0;
	lr =	simm.s32 $0x1  }
0x2: {  	[smem:$0x3F9D] =	sst lr;
	_ =	strace $0xD0000000  }
0x3: {  	_ = 	snop  }
0x4: {  	_ = 	snop  }
0x5: {  	_ = 	snop  }
0x6: {  	_ = 	snop  }
0x7: {  	_ = 	snop  }
__scs_overlays_trampoline_lowered:
0x8: {  	[smem:$0x3FAC] =	sst s0  }
0x9: {  	[smem:$0x3FAD] =	sst s1  }
0xa: {  	[smem:$0x3FAE] =	sst s2  }
0xb: {  	[smem:$0x3FAF] =	sst s3  }
0xc: {  	[smem:$0x3FB0] =	sst s4  }
0xd: {  	[smem:$0x3FB1] =	sst s5  }
0xe: {  	[smem:$0x3FB2] =	sst s6  }
0xf: {  	[smem:$0x3FB3] =	sst s7  }
0x10: {  	[smem:$0x3FB4] =	sst s8  }
0x11: {  	[smem:$0x3FB5] =	sst s9;
	s0 =	simm.s32 @!p0 $0x0  }
0x12: {  	s1 =	sld [smem:$0x3F9B];
	s0 =	simm.s32 @p0 $0x1  }
0x13: {  	[smem:$0x3FB6] =	sst s0;
	s0 =	simm.s32 @!p1 $0x0  }
0x14: {  	s2 =	sld [smem:$0x3F9A];
	s0 =	simm.s32 @p1 $0x1  }
0x15: {  	[smem:$0x3FB7] =	sst s0;
	s0 =	simm.s32 @!p2 $0x0  }
0x16: {  	s3 =	sld [smem:$0x3FDB];
	s0 =	simm.s32 @p2 $0x1  }
0x17: {  	s4 =	simm.s32 $0x1BF5;
	[smem:$0x3FB9] =	sst s0  }
0x18: {  	s0 =	sld [smem:$0x3F9C];
	_ =	swait.ge [sflag:s4], $0x0  }
0x19: {  	s7 =	sld [smem:$0x3F9D]  }
0x1a: {  	s8 =	sadd.s32 $0xFFFFE003, lr  }
0x1b: {  	s9 =	sadd.s32 $0xFFFFFEF7, lr;
	s5 =	simm.s32 $0xFFFFFFFF;
	p2 =	slt.u32 s8, $0xFFFFF086  }
0x1c: {  	p1 =	slt.u32 s9, $0xF7A;
	s5 =	simm.s32 @!p2 $0x0  }
0x1d: {  	s5 =	simm.s32 @p1 $0x1;
	p0 =	seq.s32 s7, s2  }
0x1e: {  	s7 =	smul.u32 @!p0 $0xF7A, s2;
	p2 =	seq.s32 @!p0 s5, $0x0  }
0x1f: {  	s9 =	smul.u32 $0xF7A, s1;
	s8 =	simm.s32 @!p0 $0x1BF5;
	p2 =	por !p2, p0  }
0x20: {  	[sflag:s8] =	ssyncset.s32 @!p0 $0xFFFFF086;
	s6 =	sadd.s32 @!p0 s3, s7;
	s7 =	simm.s32 @!p0 $0x108  }
0x21: {  	s3 =	sadd.s32 s3, s9;
	s6 =	sadd.s32 @!p0 $0x88, s6;
	s7 =	simm.s32 @p2 $0x1082  }
0x22: {  	[simem:s7], [sflag:s8] =	dma.local @!p0 [hbm:s6], $0xF7A  }
0x23: {  	s9 =	sor.u32 $0xD0000000, s2;
	s6 =	simm.s32 $0x108;
	_ =	swait.ge @!p0 [sflag:s8], $0x0  }
0x24: {  	s3 =	sadd.s32 $0x88, s3;
	s6 =	simm.s32 @!p1 $0x1082;
	[sflag:s4] =	ssyncset.s32 $0xFFFFF086  }
0x25: {  	[simem:s6], [sflag:s4] =	dma.local [hbm:s3], $0xF7A  }
0x26: {  	[smem:$0x3F9D] =	sst s1;
	(tag) =	ssettag s2;
	_ =	strace s9  }
0x27: {  	s1 =	sld [smem:$0x3FAD]  }
0x28: {  	s2 =	sld [smem:$0x3FAE]  }
0x29: {  	s4 =	sld [smem:$0x3FB0]  }
0x2a: {  	p0 =	seq.s32 s5, $0x0;
	s5 =	sld [smem:$0x3FB1]  }
0x2b: {  	s6 =	sld [smem:$0x3FB2]  }
0x2c: {  	s7 =	sld [smem:$0x3FB3]  }
0x2d: {  	s3 =	simm.s32 $0x108;
	s8 =	sld [smem:$0x3FB4]  }
0x2e: {  	s3 =	simm.s32 @!p0 $0x1082;
	s9 =	sld [smem:$0x3FB5]  }
0x2f: {  	lr =	sadd.s32 s0, s3;
	s0 =	sld [smem:$0x3FAC]  }
0x30: {  	s3 =	sld [smem:$0x3FAF]  }
0x31: {  	[smem:$0x3FB8] =	sst s10  }
0x32: {  	s10 =	sld [smem:$0x3FB6];
	_ =	sdelay $0x3  }
0x33: {  	p0 =	seq.s32 s10, $0x1;
	s10 =	sld [smem:$0x3FB8];
	_ =	sdelay $0x3  }
0x34: {  	[smem:$0x3FB8] =	sst s10  }
0x35: {  	s10 =	sld [smem:$0x3FB7];
	_ =	sdelay $0x3  }
0x36: {  	p1 =	seq.s32 s10, $0x1;
	s10 =	sld [smem:$0x3FB8];
	_ =	sdelay $0x3  }
0x37: {  	[smem:$0x3FB8] =	sst s10  }
0x38: {  	s10 =	sld [smem:$0x3FB9]  }
0x39: {  	_ = 	snop;
	(pc) =	sbr.ind lr, $3  }
0x3a: {  	_ = 	snop  }
0x3b: {  	_ = 	snop  }
0x3c: {  	p2 =	seq.s32 s10, $0x1;
	s10 =	sld [smem:$0x3FB8]  }
0x3d: {  	_ =	shalt  }
0x3e: {  	_ =	shalt  }
0x3f: {  	_ =	shalt  }
0x40: {  	_ =	shalt  }
0x41: {  	_ =	shalt  }
0x42: {  	_ =	shalt  }
0x43: {  	_ =	shalt  }
0x44: {  	_ =	shalt  }
0x45: {  	_ =	shalt  }
0x46: {  	_ =	shalt  }
0x47: {  	_ =	shalt  }
0x48: {  	_ =	shalt  }
0x49: {  	_ =	shalt  }
0x4a: {  	_ =	shalt  }
0x4b: {  	_ =	shalt  }
0x4c: {  	_ =	shalt  }
0x4d: {  	_ =	shalt  }
0x4e: {  	_ =	shalt  }
0x4f: {  	_ =	shalt  }
0x50: {  	_ =	shalt  }
0x51: {  	_ =	shalt  }
0x52: {  	_ =	shalt  }
0x53: {  	_ =	shalt  }
0x54: {  	_ =	shalt  }
0x55: {  	_ =	shalt  }
0x56: {  	_ =	shalt  }
0x57: {  	_ =	shalt  }
0x58: {  	_ =	shalt  }
0x59: {  	_ =	shalt  }
0x5a: {  	_ =	shalt  }
0x5b: {  	_ =	shalt  }
0x5c: {  	_ =	shalt  }
0x5d: {  	_ =	shalt  }
0x5e: {  	_ =	shalt  }
0x5f: {  	_ =	shalt  }
0x60: {  	_ =	shalt  }
0x61: {  	_ =	shalt  }
0x62: {  	_ =	shalt  }
0x63: {  	_ =	shalt  }
0x64: {  	_ =	shalt  }
0x65: {  	_ =	shalt  }
0x66: {  	_ =	shalt  }
0x67: {  	_ =	shalt  }
0x68: {  	_ =	shalt  }
0x69: {  	_ =	shalt  }
0x6a: {  	_ =	shalt  }
0x6b: {  	_ =	shalt  }
0x6c: {  	_ =	shalt  }
0x6d: {  	_ =	shalt  }
0x6e: {  	_ =	shalt  }
0x6f: {  	_ =	shalt  }
0x70: {  	_ =	shalt  }
0x71: {  	_ =	shalt  }
0x72: {  	_ =	shalt  }
0x73: {  	_ =	shalt  }
0x74: {  	_ =	shalt  }
0x75: {  	_ =	shalt  }
0x76: {  	_ =	shalt  }
0x77: {  	_ =	shalt  }
0x78: {  	_ =	shalt  }
0x79: {  	_ =	shalt  }
0x7a: {  	_ =	shalt  }
0x7b: {  	_ =	shalt  }
0x7c: {  	_ =	shalt  }
0x7d: {  	_ =	shalt  }
0x7e: {  	_ =	shalt  }
0x7f: {  	_ =	shalt  }
0x80: {  	_ =	shalt  }
0x81: {  	_ =	shalt  }
0x82: {  	_ =	shalt  }
0x83: {  	_ =	shalt  }
0x84: {  	_ =	shalt  }
0x85: {  	_ =	shalt  }
0x86: {  	_ =	shalt  }
0x87: {  	_ =	shalt  }
.Lfunc_end0:
.L_simem_size_0:
called_computation.1_lowered:
.L_overlay_start_0:
0x88: {  	s2 =	sld [smem:$0x3FD9]  }
0x89: {  	s3 =	sld [smem:$0x3FFE];
	_ =	sdelay $0x1  }
0x8a: {  	s1 =	srdreg.scid  }
0x8b: {  	s0 =	sand.u32 $0x1, s1  }
0x8c: {  	s17 =	sshll.u32 s0, $0xA;
	s2 =	sadd.s32 s3, s2  }
0x8d: {  	s2 =	sadd.s32 s2, s17  }
0x8e: {  	[smem:$0x3FC4] =	sst s2  }
0x8f: {  	_ = 	snop  }
0x90: {  	s2 =	sld [smem:$0x3FD0];
	(tm) =	ssettm $0x1  }
0x91: {  	s18 =	sld [smem:$0x3FFB];
	_ =	sdelay $0x3  }
0x92: {  	_ =	strace s18  }
0x93: {  	s3 =	sld [smem:$0x3FFC];
	_ =	sdelay $0x3  }
0x94: {  	_ =	strace s3  }
0x95: {  	s3 =	sld [smem:$0x3FFD];
	_ =	sdelay $0x3  }
0x96: {  	_ =	strace s3  }
0x97: {  	_ =	strace $0x8FFFFFFF  }
0x98: {  	s19 =	sld [smem:$0x3FDB];
	_ =	sdelay $0x1  }
0x99: {  	s4 =	simm.s32 $_scs_section_size  }
0x9a: {  	s5 =	simm.s32 $_size__tile_overlayer_lowered;
	s6 =	simm.s32 $_tile_overlayer_lowered  }
0x9b: {  	s22 =	simm.s32 $0x1BFF;
	s21 =	sshll.u32 s6, $0x1;
	s3 =	sadd.s32 s4, s19  }
0x9c: {  	s7 =	simm.s32 $0x0;
	s20 =	sshll.u32 s5, $0x1;
	s5 =	sadd.s32 s21, s3  }
0x9d: {  	[timem:s7], [sflag:s22] =	dma.local [hbm:s5], s20  }
0x9e: {  	_ =	swait.ge [sflag:s22], s20  }
0x9f: {  	s4 =	ssub.s32 $0x0, s20;
	[sflag:s22] =	ssyncset.done $0x0  }
0xa0: {  	[sflag:s22] =	ssyncadd.s32 s4;
	_ =	sdelay $0x1  }
0xa1: {  	s23 =	simm.s32 $0x1B8B  }
0xa2: {  	_ =	swait.ge [sflag:s23], $0x1  }
0xa3: {  	[sflag:s23] =	ssyncset.done $0x0  }
0xa4: {  	s25 =	simm.s32 $0x1B8E;
	s24 =	sld [smem:$0x3FFE];
	[sflag:s23] =	ssyncadd.s32 $0xFFFFFFFF  }
0xa5: {  	s26 =	simm.s32 $execute0_lowered;
	[smem:$0x3FD2] =	sst s25  }
0xa6: {  	s5 =	sshll.u32 s26, $0x1;
	_ =	strace $0x80000049;
	[dreg:$0x1] =	wrdreg $0xFFFFFFFF  }
0xa7: {  	s28 =	simm.s32 $_size_execute0_lowered;
	s3 =	sadd.s32 s3, s5;
	[dreg:$0x0] =	wrdreg $0x0  }
0xa8: {  	s5 =	sshll.u32 s28, $0x1;
	[dreg:$0x2] =	wrdreg s3  }
0xa9: {  	[dreg:$0x3] =	wrdreg s5  }
0xaa: {  	[dreg:$0x4] =	wrdreg $0xC0  }
0xab: {  	_ =	task [dreg:s7], $0x5FFFF  }
0xac: {  	[dreg:$0x1] =	wrdreg $0xFFFFFFFF  }
0xad: {  	[dreg:$0x0] =	wrdreg $0x60  }
0xae: {  	[dreg:$0x2] =	wrdreg s24  }
0xaf: {  	[dreg:$0x3] =	wrdreg s2  }
0xb0: {  	[dreg:$0x4] =	wrdreg $0x9  }
0xb1: {  	_ =	task.clear_ibuf [dreg:s7], $0x5FFFF;
	_ =	strace $0x90000049  }
0xb2: {  	s29 =	simm.s32 $0x9;
	_ =	strace $0x8000004B  }
0xb3: {  	_ =	swait.ge [sflag:s29], $0x1  }
0xb4: {  	[sflag:s29] =	ssyncadd.s32 $0xFFFFFFFF  }
0xb5: {  	_ =	strace $0x9000004B  }
0xb6: {  	_ =	sfence  }
0xb7: {  	s30 =	sld [smem:$0x0];
	_ =	sdelay $0x2  }
0xb8: {  	s31 =	sshll.u32 s1, $0xD;
	s1 =	sshrl.u32 s1, $0x2  }
0xb9: {  	s3 =	sand.u32 $0x4000, s31;
	s1 =	sadd.s32 s1, s30  }
0xba: {  	s0 =	sor.u32 s3, s0;
	s1 =	sshll.u32 s1, $0x11  }
0xbb: {  	s0 =	sor.u32 s1, s0  }
0xbc: {  	s0 =	sadd.s32 $0x8F2B, s0  }
0xbd: {  	[sflag:s0] =	ssyncadd.remote.s32 $0x1  }
0xbe: {  	_ =	sfence.sel $0xFFFF  }
0xbf: {  	[dreg:$0x0] =	wrdreg $0xFFFFFFFF;
	(pc) =	sbr.abs _section_cstart, $3  }
0xc0: {  	[dreg:$0x1] =	wrdreg $0xFFFFFFFF  }
0xc1: {  	_ =	task.clear_ibuf [dreg:s7], $0x2FFFF;
	_ =	strace $0x9FFFFFFF  }
0xc2: {  	(tm) =	ssettm $0x7FFFFFFF  }
0xc3: {  	_ =	shalt  }
tec
execute0_lowered:
.L_overlay_start_1:
0x0: {  	(tag) =	ssettag $0x1  }
0x1: {  	s0 =	srdreg.scid;
	s1 =	rddreg [dreg:$0x0]  }
0x2: {  	s2 =	stileid.u32;
	s5 =	simm.s32 $0x0;
	s14 =	simm.s32 $0x2  }
0x3: {  	s16 =	simm.s32 $0x100;
	s17 =	simm.s32 $0x180;
	s18 =	simm.s32 $0x200  }
0x4: {  	s6 =	simm.s32 $0x1;
	s20 =	simm.s32 $0xB200;
	s21 =	simm.s32 $0xBA00  }
0x5: {  	s22 =	simm.s32 $0xC200;
	s23 =	simm.s32 $0xCA00;
	s28 =	simm.s32 $0xEA00  }
0x6: {  	s29 =	simm.s32 $0xF200;
	s19 =	simm.s32 $0x0;
	s0 =	sand.u32 $0x1, s0  }
0x7: {  	s2 =	sshll.u32 s2, $0x7;
	s3 =	sshll.u32 s0, $0x6;
	s0 =	ssub.s32 $0x2, s0  }
0x8: {  	s31 =	simm.s32 $0x0;
	s4 =	sor.u32 s3, s2;
	s30 =	sshrl.u32 s0, $0x1  }
0x9: {  	[smem:$0x7FF] =	sst s5;
	s2 =	sshrl.u32 s4, $0x3;
	s0 =	ssub.s32 s0, s30  }
0xa: {  	s5 =	sadd.s32 $0x181400, s1;
	s2 =	sadd.s32 s2, s1;
	s0 =	smax.u32 s0, $0x1  }
0xb: {  	_ =	strace $0x8000004A;
	s24 =	sadd.s32 $0x180C00, s2;
	[dreg:$0x7] =	wrdreg s0  }
0xc: {  	s10 =	sadd.s32 $0x181500, s1;
	s25 =	sadd.s32 $0x180E00, s2;
	[dreg:$0x3] =	wrdreg s24  }
0xd: {  	s11 =	sadd.s32 $0x181600, s1;
	s26 =	sadd.s32 $0x181200, s2;
	[dreg:$0x4] =	wrdreg s25  }
0xe: {  	v2 =	vlaneseq.u32;
	s12 =	sadd.s32 $0x181700, s1;
	s2 =	sadd.s32 $0x181000, s2;
	[dreg:$0x5] =	wrdreg s26  }
0xf: {  	vm0 =	vmmov $0xffff;
	v1 =	vshrl.u32 v2, $0x3;
	s3 =	simm.s32 $0xFA00;
	s1 =	simm.s32 $0x0;
	[dreg:$0x6] =	wrdreg s2  }
0x10: {  	v0 =	vand.u32 $0x7, v2;
	v2 =	vor.u32 $0x8, v2;
	v1 =	vmul.u32 $0x8, v1;
	s24 =	simm.s32 $0xD200;
	s25 =	simm.s32 $0xDA00;
	s26 =	simm.s32 $0xE200  }
.LBB2_1:
0x11: {  	[dreg:$0x8] =	wrdreg s1  }
0x12: {  	s0 =	simm.s32 $0x0;
	s8 =	rddreg [dreg:$0x3]  }
0x13: {  	[tilespmem:s0], [sflag:$0x2] =	stream.linear.gather [hbm4b:s8+s0], $0x40, $0x38;
	[tilespmem:$0x10200] =	vst v63  }
0x14: {  	_ =	swait.ge [sflag:s14], $0x40  }
0x15: {  	[sflag:s14] =	ssyncset.done $0x0  }
0x16: {  	s2 =	simm.s32 $0x80;
	s9 =	rddreg [dreg:$0x4];
	[sflag:s14] =	ssyncadd.s32 $0xFFFFFFC0  }
0x17: {  	[tilespmem:s2], [sflag:$0x2] =	stream.linear.gather [hbm4b:s9+s0], $0x40, $0x38;
	[tilespmem:$0x10200] =	vst v63  }
0x18: {  	_ =	swait.ge [sflag:s14], $0x40  }
0x19: {  	[sflag:s14] =	ssyncset.done $0x0  }
0x1a: {  	s13 =	rddreg [dreg:$0x5];
	[sflag:s14] =	ssyncadd.s32 $0xFFFFFFC0  }
0x1b: {  	[tilespmem:s16], [sflag:$0x2] =	stream.linear.gather [hbm4b:s13+s0], $0x40, $0x38;
	[tilespmem:$0x10200] =	vst v63  }
0x1c: {  	_ =	swait.ge [sflag:s14], $0x40  }
0x1d: {  	[sflag:s14] =	ssyncset.done $0x0  }
0x1e: {  	s15 =	rddreg [dreg:$0x6];
	[sflag:s14] =	ssyncadd.s32 $0xFFFFFFC0  }
0x1f: {  	[tilespmem:s17], [sflag:$0x2] =	stream.linear.gather [hbm4b:s15+s0], $0x40, $0x38;
	[tilespmem:$0x10200] =	vst v63  }
0x20: {  	_ =	swait.ge [sflag:s14], $0x40  }
0x21: {  	[sflag:s14] =	ssyncset.done $0x0  }
0x22: {  	p1 =	por $0x1, $0x1;
	s30 =	simm.s32 $0x0;
	[sflag:s14] =	ssyncadd.s32 $0xFFFFFFC0  }
.LBB2_2:
0x23: {  	v3 =	vld [tilespmem:s30+$0x0];
	_ =	sdelay $0x4  }
0x24: {  	v4 =	vshll.u32 v3, $0x3  }
0x25: {  	v3 =	vand.u32 $0x7, v3;
	v4 =	vand.u32 $0xFFFFFFC0, v4  }
0x26: {  	v3 =	vor.u32 v3, v4  }
0x27: {  	v4 =	vperm.xlane v3, v0;
	_ =	sdelay $0x1  }
0x28: {  	v4 =	vadd.s32 v1, v4;
	_ =	sdelay $0x4  }
0x29: {  	[tilespmem:s18], [sflag:$0x1] =	stream.indirect_vreg.gather [hbm4b:s5+s31], $0x80, v4, vm0, $0xb8;
	[tilespmem:$0x10200] =	vst v63  }
0x2a: {  	s0 =	simm.s32 $0xA00;
	v3 =	vperm.xlane v3, v2  }
0x2b: {  	[tilespmem:s0], [sflag:$0x1] =	stream.indirect_vreg.gather [hbm4b:s10+s31], $0x80, v4, vm0, $0xb8;
	[tilespmem:$0x10200] =	vst v63  }
0x2c: {  	s2 =	simm.s32 $0x1200;
	v3 =	vadd.s32 v1, v3  }
0x2d: {  	[tilespmem:s2], [sflag:$0x1] =	stream.indirect_vreg.gather [hbm4b:s11+s31], $0x80, v4, vm0, $0xb8;
	[tilespmem:$0x10200] =	vst v63  }
0x2e: {  	s7 =	simm.s32 $0x1A00  }
0x2f: {  	[tilespmem:s7], [sflag:$0x1] =	stream.indirect_vreg.gather [hbm4b:s12+s31], $0x80, v4, vm0, $0xb8;
	[tilespmem:$0x10200] =	vst v63  }
0x30: {  	s8 =	simm.s32 $0x2200  }
0x31: {  	[tilespmem:s8], [sflag:$0x1] =	stream.indirect_vreg.gather [hbm4b:s5+s31], $0x80, v3, vm0, $0xb8;
	[tilespmem:$0x10200] =	vst v63  }
0x32: {  	s9 =	simm.s32 $0x2A00  }
0x33: {  	[tilespmem:s9], [sflag:$0x1] =	stream.indirect_vreg.gather [hbm4b:s10+s31], $0x80, v3, vm0, $0xb8;
	[tilespmem:$0x10200] =	vst v63  }
0x34: {  	s13 =	simm.s32 $0x3200  }
0x35: {  	[tilespmem:s13], [sflag:$0x1] =	stream.indirect_vreg.gather [hbm4b:s11+s31], $0x80, v3, vm0, $0xb8;
	[tilespmem:$0x10200] =	vst v63  }
0x36: {  	s15 =	simm.s32 $0x3A00  }
0x37: {  	[tilespmem:s15], [sflag:$0x1] =	stream.indirect_vreg.gather [hbm4b:s12+s31], $0x80, v3, vm0, $0xb8;
	[tilespmem:$0x10200] =	vst v63  }
0x38: {  	v3 =	vld [tilespmem:s30+$0x10];
	_ =	sdelay $0x4  }
0x39: {  	v61 =	vshll.u32 v3, $0x3  }
0x3a: {  	v3 =	vand.u32 $0x7, v3;
	v4 =	vand.u32 $0xFFFFFFC0, v61  }
0x3b: {  	v3 =	vor.u32 v3, v4  }
0x3c: {  	v4 =	vperm.xlane v3, v0;
	_ =	sdelay $0x1  }
0x3d: {  	v4 =	vadd.s32 v1, v4;
	_ =	sdelay $0x3  }
0x3e: {  	s1 =	simm.s32 $0x4200  }
0x3f: {  	[tilespmem:s1], [sflag:$0x1] =	stream.indirect_vreg.gather [hbm4b:s5+s31], $0x80, v4, vm0, $0xb8;
	[tilespmem:$0x10200] =	vst v63  }
0x40: {  	s2 =	simm.s32 $0x4A00;
	v3 =	vperm.xlane v3, v2  }
0x41: {  	[tilespmem:s2], [sflag:$0x1] =	stream.indirect_vreg.gather [hbm4b:s10+s31], $0x80, v4, vm0, $0xb8;
	[tilespmem:$0x10200] =	vst v63  }
0x42: {  	s7 =	simm.s32 $0x5200;
	v3 =	vadd.s32 v1, v3  }
0x43: {  	[tilespmem:s7], [sflag:$0x1] =	stream.indirect_vreg.gather [hbm4b:s11+s31], $0x80, v4, vm0, $0xb8;
	[tilespmem:$0x10200] =	vst v63  }
0x44: {  	s8 =	simm.s32 $0x5A00  }
0x45: {  	[tilespmem:s8], [sflag:$0x1] =	stream.indirect_vreg.gather [hbm4b:s12+s31], $0x80, v4, vm0, $0xb8;
	[tilespmem:$0x10200] =	vst v63  }
0x46: {  	s9 =	simm.s32 $0x6200  }
0x47: {  	[tilespmem:s9], [sflag:$0x1] =	stream.indirect_vreg.gather [hbm4b:s5+s31], $0x80, v3, vm0, $0xb8;
	[tilespmem:$0x10200] =	vst v63  }
0x48: {  	s13 =	simm.s32 $0x6A00  }
0x49: {  	[tilespmem:s13], [sflag:$0x1] =	stream.indirect_vreg.gather [hbm4b:s10+s31], $0x80, v3, vm0, $0xb8;
	[tilespmem:$0x10200] =	vst v63  }
0x4a: {  	s15 =	simm.s32 $0x7200  }
0x4b: {  	[tilespmem:s15], [sflag:$0x1] =	stream.indirect_vreg.gather [hbm4b:s11+s31], $0x80, v3, vm0, $0xb8;
	[tilespmem:$0x10200] =	vst v63  }
0x4c: {  	s1 =	simm.s32 $0x7A00  }
0x4d: {  	[tilespmem:s1], [sflag:$0x1] =	stream.indirect_vreg.gather [hbm4b:s12+s31], $0x80, v3, vm0, $0xb8;
	[tilespmem:$0x10200] =	vst v63  }
0x4e: {  	_ =	swait.ge [sflag:s6], $0x8000  }
0x4f: {  	[sflag:s6] =	ssyncset.done $0x0  }
0x50: {  	[sflag:s6] =	ssyncadd.s32 $0xFFFF8000  }
0x51: {  	v3 =	vld [tilespmem:s30+$0x80];
	_ =	sdelay $0x4  }
0x52: {  	v62 =	vshll.u32 v3, $0x3  }
0x53: {  	v3 =	vand.u32 $0x7, v3;
	v4 =	vand.u32 $0xFFFFFFC0, v62  }
0x54: {  	v3 =	vor.u32 v3, v4  }
0x55: {  	v4 =	vperm.xlane v3, v0;
	_ =	sdelay $0x1  }
0x56: {  	v4 =	vadd.s32 v1, v4;
	_ =	sdelay $0x3  }
0x57: {  	s2 =	simm.s32 $0x8200  }
0x58: {  	[tilespmem:s2], [sflag:$0x1] =	stream.indirect_vreg.gather [hbm4b:s5+s31], $0x80, v4, vm0, $0xb8;
	[tilespmem:$0x10200] =	vst v63  }
0x59: {  	s7 =	simm.s32 $0x8A00;
	v3 =	vperm.xlane v3, v2  }
0x5a: {  	[tilespmem:s7], [sflag:$0x1] =	stream.indirect_vreg.gather [hbm4b:s10+s31], $0x80, v4, vm0, $0xb8;
	[tilespmem:$0x10200] =	vst v63  }
0x5b: {  	s8 =	simm.s32 $0x9200;
	v3 =	vadd.s32 v1, v3  }
0x5c: {  	[tilespmem:s8], [sflag:$0x1] =	stream.indirect_vreg.gather [hbm4b:s11+s31], $0x80, v4, vm0, $0xb8;
	[tilespmem:$0x10200] =	vst v63  }
0x5d: {  	s9 =	simm.s32 $0x9A00  }
0x5e: {  	[tilespmem:s9], [sflag:$0x1] =	stream.indirect_vreg.gather [hbm4b:s12+s31], $0x80, v4, vm0, $0xb8;
	[tilespmem:$0x10200] =	vst v63  }
0x5f: {  	s13 =	simm.s32 $0xA200  }
0x60: {  	[tilespmem:s13], [sflag:$0x1] =	stream.indirect_vreg.gather [hbm4b:s5+s31], $0x80, v3, vm0, $0xb8;
	[tilespmem:$0x10200] =	vst v63  }
0x61: {  	s15 =	simm.s32 $0xAA00  }
0x62: {  	[tilespmem:s15], [sflag:$0x1] =	stream.indirect_vreg.gather [hbm4b:s10+s31], $0x80, v3, vm0, $0xb8;
	[tilespmem:$0x10200] =	vst v63  }
0x63: {  	_ = 	snop  }
0x64: {  	[tilespmem:s20], [sflag:$0x1] =	stream.indirect_vreg.gather [hbm4b:s11+s31], $0x80, v3, vm0, $0xb8;
	[tilespmem:$0x10200] =	vst v63  }
0x65: {  	_ = 	snop  }
0x66: {  	[tilespmem:s21], [sflag:$0x1] =	stream.indirect_vreg.gather [hbm4b:s12+s31], $0x80, v3, vm0, $0xb8;
	[tilespmem:$0x10200] =	vst v63  }
0x67: {  	v3 =	vld [tilespmem:s30+$0x90];
	_ =	sdelay $0x4  }
0x68: {  	v63 =	vshll.u32 v3, $0x3  }
0x69: {  	v3 =	vand.u32 $0x7, v3;
	v4 =	vand.u32 $0xFFFFFFC0, v63  }
0x6a: {  	v3 =	vor.u32 v3, v4  }
0x6b: {  	v4 =	vperm.xlane v3, v0;
	_ =	sdelay $0x1  }
0x6c: {  	v4 =	vadd.s32 v1, v4;
	_ =	sdelay $0x4  }
0x6d: {  	[tilespmem:s22], [sflag:$0x1] =	stream.indirect_vreg.gather [hbm4b:s5+s31], $0x80, v4, vm0, $0xb8;
	[tilespmem:$0x10200] =	vst v63  }
0x6e: {  	v3 =	vperm.xlane v3, v2  }
0x6f: {  	[tilespmem:s23], [sflag:$0x1] =	stream.indirect_vreg.gather [hbm4b:s10+s31], $0x80, v4, vm0, $0xb8;
	[tilespmem:$0x10200] =	vst v63  }
0x70: {  	v3 =	vadd.s32 v1, v3  }
0x71: {  	[tilespmem:s24], [sflag:$0x1] =	stream.indirect_vreg.gather [hbm4b:s11+s31], $0x80, v4, vm0, $0xb8;
	[tilespmem:$0x10200] =	vst v63  }
0x72: {  	_ = 	snop  }
0x73: {  	[tilespmem:s25], [sflag:$0x1] =	stream.indirect_vreg.gather [hbm4b:s12+s31], $0x80, v4, vm0, $0xb8;
	[tilespmem:$0x10200] =	vst v63  }
0x74: {  	_ = 	snop  }
0x75: {  	[tilespmem:s26], [sflag:$0x1] =	stream.indirect_vreg.gather [hbm4b:s5+s31], $0x80, v3, vm0, $0xb8;
	[tilespmem:$0x10200] =	vst v63  }
0x76: {  	_ = 	snop  }
0x77: {  	[tilespmem:s28], [sflag:$0x1] =	stream.indirect_vreg.gather [hbm4b:s10+s31], $0x80, v3, vm0, $0xb8;
	[tilespmem:$0x10200] =	vst v63  }
0x78: {  	_ = 	snop  }
0x79: {  	[tilespmem:s29], [sflag:$0x1] =	stream.indirect_vreg.gather [hbm4b:s11+s31], $0x80, v3, vm0, $0xb8;
	[tilespmem:$0x10200] =	vst v63  }
0x7a: {  	_ = 	snop  }
0x7b: {  	[tilespmem:s3], [sflag:$0x1] =	stream.indirect_vreg.gather [hbm4b:s12+s31], $0x80, v3, vm0, $0xb8;
	[tilespmem:$0x10200] =	vst v63  }
0x7c: {  	_ =	swait.ge [sflag:s6], $0x8000  }
0x7d: {  	[sflag:s6] =	ssyncset.done $0x0  }
0x7e: {  	p0 =	por p1, p1;
	s1 =	simm.s32 $0x0;
	[sflag:s6] =	ssyncadd.s32 $0xFFFF8000  }
.LBB2_3:
0x7f: {  	s0 =	sor.u32 s30, s1;
	s8 =	sshll.u32 s1, $0xA;
	s7 =	sshll.u32 s1, $0x7  }
0x80: {  	v4 =	vmov s0;
	s0 =	sand.u32 $0x6000, s8;
	s7 =	sand.u32 $0x380, s7  }
0x81: {  	s9 =	sand.u32 $0x40, s31;
	s15 =	sor.u32 s0, s7  }
0x82: {  	s13 =	sand.u32 $0x1C00, s31;
	s0 =	sor.u32 s9, s15  }
0x83: {  	s0 =	sor.u32 s13, s0  }
0x84: {  	v8 =	vld [tilespmem:s0+$0x8200]  }
0x85: {  	v7 =	vld [tilespmem:s0+$0x8210]  }
0x86: {  	v6 =	vld [tilespmem:s0+$0x8220]  }
0x87: {  	v5 =	vld [tilespmem:s0+$0x8230]  }
0x88: {  	v10 =	vld [tilespmem:s0+$0x200]  }
0x89: {  	v3 =	vld.idx.msk [tilespmem:v4+s16+$0x0], $0xffff  }
0x8a: {  	v4 =	vld.idx.msk [tilespmem:v4+s17+$0x0], $0xffff  }
0x8b: {  	v11 =	vld [tilespmem:s0+$0x210]  }
0x8c: {  	s8 =	simm.s32 $0x40;
	s7 =	simm.s32 $0x0;
	s9 =	simm.s32 $0x0;
	v9 =	vld [tilespmem:s0+$0x220]  }
.LBB2_4:
0x8d: {  	s13 =	sand.u32 $0x40, s8;
	v12 =	vld [tilespmem:s0+$0x230];
	s9 =	sadd.s32 $0x200, s9  }
0x8e: {  	s2 =	sand.u32 $0x1C00, s9;
	s13 =	sor.u32 s13, s15  }
0x8f: {  	v13 =	vmul.f32 v8, v4;
	s2 =	sor.u32 s2, s13;
	v10 =	vmul.f32 v10, v3  }
0x90: {  	v14 =	vmul.f32 v7, v4;
	s7 =	sadd.s32 $0x4, s7;
	v8 =	vld [tilespmem:s2+$0x8200];
	v11 =	vmul.f32 v11, v3  }
0x91: {  	p1 =	slt.u32 s7, $0x3C;
	v7 =	vld [tilespmem:s2+$0x8210];
	v10 =	vadd.f32 v13, v10;
	v9 =	vmul.f32 v9, v3;
	v13 =	vmul.f32 v6, v4  }
.Ltmp0:
0x92: {  	v6 =	vld [tilespmem:s2+$0x8220];
	v11 =	vadd.f32 v14, v11;
	v12 =	vmul.f32 v12, v3;
	v14 =	vmul.f32 v5, v4;
	(pc) =	sbr.rel @p1 .LBB2_4-.Ltmp0, $4  }
0x93: {  	v5 =	vld [tilespmem:s2+$0x8230];
	[tilespmem:s0+$0x200] =	vst v10;
	v9 =	vadd.f32 v13, v9  }
0x94: {  	v10 =	vld [tilespmem:s2+$0x200];
	[tilespmem:s0+$0x210] =	vst v11;
	v12 =	vadd.f32 v14, v12  }
0x95: {  	v11 =	vld [tilespmem:s2+$0x210];
	[tilespmem:s0+$0x220] =	vst v9  }
0x96: {  	s8 =	sadd.s32 $0x40, s8;
	v9 =	vld [tilespmem:s2+$0x220];
	[tilespmem:s0+$0x230] =	vst v12;
	s0 =	smov.u32 s2  }
0x97: {  	v12 =	vld [tilespmem:s0+$0x230];
	_ =	sdelay $0x1  }
0x98: {  	v8 =	vmul.f32 v8, v4;
	v10 =	vmul.f32 v10, v3  }
0x99: {  	v7 =	vmul.f32 v7, v4;
	s1 =	sadd.s32 $0x1, s1;
	v11 =	vmul.f32 v11, v3  }
0x9a: {  	v6 =	vmul.f32 v6, v4;
	p1 =	sne.s32 s1, $0x20;
	v8 =	vadd.f32 v8, v10;
	v9 =	vmul.f32 v9, v3  }
.Ltmp1:
0x9b: {  	v62 =	vmul.f32 v5, v4;
	v7 =	vadd.f32 v7, v11;
	v3 =	vmul.f32 v12, v3;
	(pc) =	sbr.rel @p1 .LBB2_3-.Ltmp1, $4  }
0x9c: {  	[tilespmem:s0+$0x200] =	vst v8;
	v63 =	vadd.f32 v6, v9  }
0x9d: {  	[tilespmem:s0+$0x210] =	vst v7;
	v3 =	vadd.f32 v62, v3  }
0x9e: {  	[tilespmem:s0+$0x220] =	vst v63  }
0x9f: {  	[tilespmem:s0+$0x230] =	vst v3  }
0xa0: {  	s0 =	sor.u32 s4, s30  }
0xa1: {  	s1 =	rddreg [dreg:$0x1];
	s0 =	sshll.u32 s0, $0x7  }
.Ltmp2:
0xa2: {  	s0 =	sadd.s32 s1, s0;
	(pc) =	sbr.rel @p0 .LBB2_2-.Ltmp2, $4  }
0xa3: {  	[hbm4b:s0+s19] =	stream.linear.scatter [tilespmem:s18], [sflag:$0x2], $0x8000, $0x38;
	[tilespmem:$0x10200] =	vst v63  }
0xa4: {  	_ =	swait.ge [sflag:s14], $0x8000  }
0xa5: {  	[sflag:s14] =	ssyncset.done $0x0  }
0xa6: {  	s30 =	simm.s32 $0x20;
	p1 =	por $0x0, $0x0;
	[sflag:s14] =	ssyncadd.s32 $0xFFFF8000  }
0xa7: {  	s1 =	rddreg [dreg:$0x8]  }
0xa8: {  	s0 =	rddreg [dreg:$0x7];
	s1 =	sadd.s32 $0x1, s1  }
0xa9: {  	p0 =	sne.s32 s1, s0  }
.Ltmp3:
0xaa: {  	_ = 	snop;
	(pc) =	sbr.rel @p0 .LBB2_1-.Ltmp3, $1  }
0xab: {  	_ =	sdelay $0x3  }
0xac: {  	_ =	sfence.sel $0x180000  }
0xad: {  	[bflag:$0x0] =	sbarrier.arrive $0xFFFF  }
0xae: {  	_ =	strace $0x9000004A  }
0xaf: {  	s0 =	stileid.u32;
	[bflag:$0x2] =	sbarrier.arrive $0xFFFF  }
0xb0: {  	p0 =	sne.s32 s0, $0x0;
	s0 =	rddreg [dreg:$0x2]  }
0xb1: {  	s0 =	sadd.s32 @!p0 $0x100000, s0  }
0xb2: {  	[sflag:s0] =	ssyncadd.tile.s32 @!p0 $0x1;
	_ =	shalt  }
.Lfunc_end2:
_tile_overlayer_lowered:
.L_overlay_start_2:
0xb3: {  	(tag) =	ssettag $0x2  }
0xb4: {  	s0 =	rddreg [dreg:$0x0];
	s2 =	stileid.u32  }
0xb5: {  	s1 =	rddreg [dreg:$0x1];
	p0 =	sne.s32 s2, $0x0  }
0xb6: {  	s3 =	rddreg [dreg:$0x2];
	[bflag:$0x3] =	sbarrier.arrive $0xFFFF;
	s2 =	simm.s32 @!p0 $0x1C02  }
0xb7: {  	[timem:s3], [sflag:s2] =	dma.local @!p0 [hbm:s0], s1  }
0xb8: {  	s0 =	simm.s32 @!p0 $0x2  }
0xb9: {  	_ =	swait.ge @!p0 [sflag:s0], s1  }
0xba: {  	s1 =	ssub.s32 @!p0 $0x0, s1;
	[sflag:s0] =	ssyncset.done @!p0 $0x0  }
0xbb: {  	[sflag:s0] =	ssyncadd.s32 @!p0 s1  }
0xbc: {  	[bflag:$0x3] =	sbarrier.arrive $0xFFFF  }
0xbd: {  	_ =	shalt  }

</sc_bundles>
